<compile_context>
chip_gen: v7x
topology: tpu7x:2x2x1
jax: 0.10.2.dev20260603
libtpu: 0.0.44.dev20260713+nightly
codegen_flags: <defaults>
</compile_context>

<pallas_src>
import functools

import jax
import jax.numpy as jnp
from jax import lax
from jax.experimental import pallas as pl
from jax.experimental.pallas import tpu as pltpu
from jax.experimental.pallas import tpu_sc as plsc

B = 16384
NFIELDS = 26
VOCAB = 100000
EDIM = 50
CDIM = 13
H1 = 512
H2 = 256
EPS = 1e-5

NP = NFIELDS * EDIM
NPP = 1304
NW = 32
BASE_ROWS = NPP // NW
EXTRA = NPP - BASE_ROWS * NW
VOCABP = 100096
SECT = 4096
NSECT = B // SECT


def _gather_kernel(tab_hbm, idx_hbm, out_hbm, row_v, idx_v, ob_v):
    wid = lax.axis_index("s") * 2 + lax.axis_index("c")
    start = wid * BASE_ROWS + jnp.minimum(wid, EXTRA)
    count = jnp.where(wid < EXTRA, BASE_ROWS + 1, BASE_ROWS)

    def row_body(k, prev_f):
        p = jnp.minimum(start + k, NP - 1)
        f = jnp.minimum((p * 1311) >> 16, NFIELDS - 1)

        @pl.when(f != prev_f)
        def _():
            pltpu.sync_copy(idx_hbm.at[f], idx_v)

        pltpu.sync_copy(tab_hbm.at[p], row_v)

        for s in range(NSECT):
            slot = (s % 2) * SECT

            def grp(j, _):
                base = s * SECT + j * 128
                for u in range(8):
                    vidx = idx_v[pl.ds(base + u * 16, 16)]
                    vals = plsc.load_gather(row_v, [vidx])
                    ob_v[pl.ds(slot + j * 128 + u * 16, 16)] = vals
                return 0

            lax.fori_loop(0, SECT // 128, grp, 0)
            pltpu.sync_copy(
                ob_v.at[pl.ds(slot, SECT)],
                out_hbm.at[start + k, pl.ds(s * SECT, SECT)])
        return f

    lax.fori_loop(0, count, row_body, jnp.int32(-1))


VB = 2944
FB = 8


def _repack_kernel(t_ref, o_ref):
    o_ref[...] = t_ref[...].reshape(FB * EDIM, VB)


def _repack(tabT3):
    nv = VOCABP // VB
    nf = (NFIELDS + FB - 1) // FB
    return pl.pallas_call(
        _repack_kernel,
        grid=(nf, nv),
        in_specs=[pl.BlockSpec((FB, EDIM, VB), lambda f, v: (f, 0, v))],
        out_specs=pl.BlockSpec((FB * EDIM, VB), lambda f, v: (f, v)),
        out_shape=jax.ShapeDtypeStruct((NPP, VOCABP), jnp.float32),
    )(tabT3)


def _gather(tabT, idxT):
    mesh = plsc.VectorSubcoreMesh(core_axis_name="c", subcore_axis_name="s")
    k = pl.kernel(
        _gather_kernel,
        mesh=mesh,
        compiler_params=pltpu.CompilerParams(use_tc_tiling_on_sc=False, needs_layout_passes=False),
        out_type=jax.ShapeDtypeStruct((NPP, B), jnp.float32),
        scratch_types=[
            pltpu.VMEM((VOCABP,), jnp.float32),
            pltpu.VMEM((B,), jnp.int32),
            pltpu.VMEM((2 * SECT,), jnp.float32),
        ],
    )
    return k(tabT, idxT)


BM = 512
NB = B // BM


def _mlp_kernel(emb_ref, xc_ref, w1e_ref, w1c_ref, b1_ref, g1_ref, bt1_ref,
                w2_ref, b2_ref, g2_ref, bt2_ref, w3_ref, b3_ref,
                out_ref, h1_s, h2_s, s1, s2):
    p = pl.program_id(0)
    i = pl.program_id(1)
    dot = functools.partial(
        lax.dot_general,
        dimension_numbers=(((1,), (0,)), ((), ())),
        preferred_element_type=jnp.float32,
    )

    @pl.when(jnp.logical_and(p == 0, i == 0))
    def _init():
        s1[...] = jnp.zeros_like(s1)
        s2[...] = jnp.zeros_like(s2)

    @pl.when(p == 0)
    def _pass0():
        h = dot(w1e_ref[...], emb_ref[...]) + dot(w1c_ref[...], xc_ref[...])
        h = h + b1_ref[...]
        h1_s[:, pl.ds(i * BM, BM)] = h
        s1[:, 0:1] = s1[:, 0:1] + jnp.sum(h, axis=1, keepdims=True)
        s1[:, 1:2] = s1[:, 1:2] + jnp.sum(h * h, axis=1, keepdims=True)

    @pl.when(jnp.logical_and(p == 1, i == 0))
    def _stats1():
        mean = s1[:, 0:1] * (1.0 / B)
        var = s1[:, 1:2] * (1.0 / B) - mean * mean
        scale = g1_ref[...] * lax.rsqrt(var + EPS)
        s1[:, 2:3] = scale
        s1[:, 3:4] = bt1_ref[...] - mean * scale

    @pl.when(p == 1)
    def _pass1():
        h = h1_s[:, pl.ds(i * BM, BM)]
        h = jnp.maximum(h * s1[:, 2:3] + s1[:, 3:4], 0.0)
        h2 = dot(w2_ref[...], h) + b2_ref[...]
        h2_s[:, pl.ds(i * BM, BM)] = h2
        s2[:, 0:1] = s2[:, 0:1] + jnp.sum(h2, axis=1, keepdims=True)
        s2[:, 1:2] = s2[:, 1:2] + jnp.sum(h2 * h2, axis=1, keepdims=True)

    @pl.when(jnp.logical_and(p == 2, i == 0))
    def _stats2():
        mean = s2[:, 0:1] * (1.0 / B)
        var = s2[:, 1:2] * (1.0 / B) - mean * mean
        scale = g2_ref[...] * lax.rsqrt(var + EPS)
        s2[:, 2:3] = scale
        s2[:, 3:4] = bt2_ref[...] - mean * scale

    @pl.when(p == 2)
    def _pass2():
        h = h2_s[:, pl.ds(i * BM, BM)]
        h = jnp.maximum(h * s2[:, 2:3] + s2[:, 3:4], 0.0)
        logit = jnp.sum(h * w3_ref[...], axis=0, keepdims=True) + b3_ref[...]
        out_ref[...] = logit


def _mlp(embT, xcT, w1eT, w1cT, b1, g1, beta1, W2T, b2, g2, beta2, w3c, b3s):
    first = lambda p, i: (0, jnp.where(p == 0, i, 0))
    fixed = lambda p, i: (0, 0)
    return pl.pallas_call(
        _mlp_kernel,
        grid=(3, NB),
        compiler_params=pltpu.CompilerParams(
            vmem_limit_bytes=100 * 1024 * 1024),
        in_specs=[
            pl.BlockSpec((NPP, BM), first),
            pl.BlockSpec((CDIM, BM), first),
            pl.BlockSpec((H1, NPP), fixed),
            pl.BlockSpec((H1, CDIM), fixed),
            pl.BlockSpec((H1, 1), fixed),
            pl.BlockSpec((H1, 1), fixed),
            pl.BlockSpec((H1, 1), fixed),
            pl.BlockSpec((H2, H1), fixed),
            pl.BlockSpec((H2, 1), fixed),
            pl.BlockSpec((H2, 1), fixed),
            pl.BlockSpec((H2, 1), fixed),
            pl.BlockSpec((H2, 1), fixed),
            pl.BlockSpec((1, 1), fixed),
        ],
        out_specs=pl.BlockSpec((1, BM), lambda p, i: (0, i)),
        out_shape=jax.ShapeDtypeStruct((1, B), jnp.float32),
        scratch_shapes=[
            pltpu.VMEM((H1, B), jnp.float32),
            pltpu.VMEM((H2, B), jnp.float32),
            pltpu.VMEM((H1, 8), jnp.float32),
            pltpu.VMEM((H2, 8), jnp.float32),
        ],
    )(embT, xcT, w1eT, w1cT, b1, g1, beta1, W2T, b2, g2, beta2, w3c, b3s)


def kernel(x_cont, x_cat, tables, W1, b1, g1, beta1, W2, b2, g2, beta2, W3, b3):
    tabT = _repack(tables.transpose(0, 2, 1))
    idxT = x_cat.T
    embT = _gather(tabT, idxT)

    xcT = x_cont.T
    W1T = W1.T
    w1cT = W1T[:, :CDIM]
    w1eT = jnp.pad(W1T[:, CDIM:], ((0, 0), (0, NPP - NP)))
    outT = _mlp(
        embT, xcT, w1eT, w1cT,
        b1.reshape(H1, 1), g1.reshape(H1, 1), beta1.reshape(H1, 1),
        W2.T, b2.reshape(H2, 1), g2.reshape(H2, 1), beta2.reshape(H2, 1),
        W3, b3.reshape(1, 1),
    )
    return outT.reshape(B, 1)

# --- scband reference (transcript-rebuilt; emitter-appended) ---
"""Pipeline reference for scband-category-embedding-mlp-33054068310754 (READ-ONLY COPY).

The authoritative reference and input builder live on the scoring server;
editing this copy changes nothing except your own understanding.
"""

import jax, jax.numpy as jnp
import numpy as np

B = 16384
NFIELDS = 26
VOCAB = 100000
EDIM = 50
CDIM = 13
H1 = 512
H2 = 256
OUT = 1
EPS = 1e-5


def setup_inputs(seed: int = 0) -> dict:
    key = jax.random.key(seed)
    ks = jax.random.split(key, 16)
    x_cont = jax.random.normal(ks[0], (B, CDIM), dtype=jnp.float32)
    x_cat = jax.random.randint(ks[1], (B, NFIELDS), 0, VOCAB, dtype=jnp.int32)
    # stacked embedding tables (all fields share cardinality/dim): [NFIELDS, VOCAB, EDIM]
    tables = jax.random.normal(ks[2], (NFIELDS, VOCAB, EDIM), dtype=jnp.float32)
    in_dim = CDIM + NFIELDS * EDIM  # 1313
    W1 = jax.random.normal(ks[3], (in_dim, H1), dtype=jnp.float32) * 0.02
    b1 = jnp.zeros((H1,), dtype=jnp.float32)
    g1 = jnp.ones((H1,), dtype=jnp.float32)
    beta1 = jnp.zeros((H1,), dtype=jnp.float32)
    W2 = jax.random.normal(ks[4], (H1, H2), dtype=jnp.float32) * 0.02
    b2 = jnp.zeros((H2,), dtype=jnp.float32)
    g2 = jnp.ones((H2,), dtype=jnp.float32)
    beta2 = jnp.zeros((H2,), dtype=jnp.float32)
    W3 = jax.random.normal(ks[5], (H2, OUT), dtype=jnp.float32) * 0.02
    b3 = jnp.zeros((OUT,), dtype=jnp.float32)
    return {
        "x_cont": x_cont, "x_cat": x_cat, "tables": tables,
        "W1": W1, "b1": b1, "g1": g1, "beta1": beta1,
        "W2": W2, "b2": b2, "g2": g2, "beta2": beta2,
        "W3": W3, "b3": b3,
    }


def _batch_norm(x, gamma, beta):
    # PyTorch BatchNorm1d (training mode): biased batch statistics
    m = jnp.mean(x, axis=0)
    v = jnp.var(x, axis=0)
    return (x - m) / jnp.sqrt(v + EPS) * gamma + beta


def reference(x_cont, x_cat, tables, W1, b1, g1, beta1, W2, b2, g2, beta2, W3, b3):
    # per-field embedding lookup: tables[i][x_cat[:, i]] -> [B, NFIELDS, EDIM]
    emb = jax.vmap(lambda t, idx: jnp.take(t, idx, axis=0), in_axes=(0, 1), out_axes=1)(tables, x_cat)
    emb = emb.reshape(emb.shape[0], NFIELDS * EDIM)
    feat = jnp.concatenate([x_cont, emb], axis=1)
    h = feat @ W1 + b1
    h = _batch_norm(h, g1, beta1)
    h = jax.nn.relu(h)
    h = h @ W2 + b2
    h = _batch_norm(h, g2, beta2)
    h = jax.nn.relu(h)
    logit = h @ W3 + b3
    return logit

if __name__ == "__main__":
    import jax
    _d = setup_inputs()
    print(jax.jit(kernel)(*tuple(_d.values())))

</pallas_src>

<mosaic_0001>
#map = affine_map<(d0, d1) -> (0, 0)>
module attributes {stable_mosaic.version = 14 : i64} {
  func.func @_gather_kernel(%arg0: i32, %arg1: i32, %arg2: memref<1304x100096xf32, #tpu.memory_space<hbm>>, %arg3: memref<26x16384xi32, #tpu.memory_space<hbm>>, %arg4: memref<1304x16384xf32, #tpu.memory_space<hbm>>, %arg5: memref<100096xf32, #tpu.memory_space<vmem>>, %arg6: memref<16384xi32, #tpu.memory_space<vmem>>, %arg7: memref<8192xf32, #tpu.memory_space<vmem>>) attributes {dimension_semantics = [#tpu.dimension_semantics<core_parallel>, #tpu.dimension_semantics<subcore_parallel>], iteration_bounds = array<i64: 2, 16>, scalar_prefetch = 0 : i64, scratch_operands = 3 : i64, tpu.core_type = #tpu.core_type<sc_vector_subcore>, window_params = [{transform_indices = #map}, {transform_indices = #map}, {transform_indices = #map}]} {
    %mul3A = arith.constant 2 : i32
    %mul3A_0 = arith.muli %arg1, %mul3A : i32
    %add3A = arith.addi %mul3A_0, %arg0 : i32
    %mul3A_1 = arith.constant 40 : i32
    %mul3A_2 = arith.muli %add3A, %mul3A_1 : i32
    %min3A = arith.constant 24 : i32
    %min3A_3 = arith.minsi %add3A, %min3A : i32
    %add3A_4 = arith.addi %mul3A_2, %min3A_3 : i32
    %lt3A = arith.constant 24 : i32
    %lt3A_5 = arith.cmpi slt, %add3A, %lt3A : i32
    %jit3A = arith.constant 41 : i32
    %jit3A_6 = arith.constant 40 : i32
    %select_n3A = arith.select %lt3A_5, %jit3A, %jit3A_6 : i32
    %while3A = arith.constant 0 : i32
    %while3A_7 = arith.constant -1 : i32
    %while3A_8 = arith.subi %select_n3A, %while3A : i32
    %while3A_9 = arith.addi %while3A, %while3A_8 : i32
    %while3A_10 = arith.constant 1 : i32
    %while3A_11 = arith.divsi %while3A_8, %while3A_10 : i32
    %while3A_12 = arith.muli %while3A_11, %while3A_10 : i32
    %while3A_13 = arith.addi %while3A, %while3A_12 : i32
    %while3A_14 = arith.constant 1 : i32
    %while3A_15 = scf.for %while3A_18 = %while3A to %while3A_13 step %while3A_14 iter_args(%while3A_19 = %while3A_7) -> (i32)  : i32 {
      %add3A_20 = arith.addi %add3A_4, %while3A_18 : i32
      %min3A_21 = arith.constant 1299 : i32
      %min3A_22 = arith.minsi %add3A_20, %min3A_21 : i32
      %mul3A_23 = arith.constant 1311 : i32
      %mul3A_24 = arith.muli %min3A_22, %mul3A_23 : i32
      %shift_right_arithmetic3A = arith.constant 16 : i32
      %shift_right_arithmetic3A_25 = arith.shrsi %mul3A_24, %shift_right_arithmetic3A : i32
      %min3A_26 = arith.constant 25 : i32
      %min3A_27 = arith.minsi %shift_right_arithmetic3A_25, %min3A_26 : i32
      %ne3A = arith.cmpi ne, %min3A_27, %while3A_19 : i32
      %convert_element_type3A = arith.extui %ne3A : i1 to i32
      %cond3A = arith.constant 0 : i32
      %cond3A_28 = arith.cmpi ne, %convert_element_type3A, %cond3A : i32
      scf.if %cond3A_28 {
        "tpu.region"() ({
          %run_scoped3A = tpu.sem_alloc : memref<!tpu.dma_semaphore, #tpu.memory_space<semaphore_mem>>
          %dma_start3A = arith.constant 0 : i32
          %dma_start3A_60 = tpu.memref_slice %arg3[%min3A_27, %dma_start3A] : memref<26x16384xi32, #tpu.memory_space<hbm>> -> memref<1x16384xi32, #tpu.memory_space<hbm>>
          %dma_start3A_61 = tpu.memref_squeeze %dma_start3A_60 : memref<1x16384xi32, #tpu.memory_space<hbm>> -> memref<16384xi32, #tpu.memory_space<hbm>>
          %dma_start3A_62 = arith.constant 0 : i32
          %dma_start3A_63 = tpu.memref_slice %arg3[%min3A_27, %dma_start3A_62] : memref<26x16384xi32, #tpu.memory_space<hbm>> -> memref<1x16384xi32, #tpu.memory_space<hbm>>
          %dma_start3A_64 = tpu.memref_squeeze %dma_start3A_63 : memref<1x16384xi32, #tpu.memory_space<hbm>> -> memref<16384xi32, #tpu.memory_space<hbm>>
          tpu.enqueue_dma source(%dma_start3A_64 : memref<16384xi32, #tpu.memory_space<hbm>>) target(%arg6 : memref<16384xi32, #tpu.memory_space<vmem>>) target_semaphore(%run_scoped3A : memref<!tpu.dma_semaphore, #tpu.memory_space<semaphore_mem>>)
          %dma_wait3A = arith.constant 0 : i32
          %dma_wait3A_65 = tpu.memref_slice %arg3[%min3A_27, %dma_wait3A] : memref<26x16384xi32, #tpu.memory_space<hbm>> -> memref<1x16384xi32, #tpu.memory_space<hbm>>
          %dma_wait3A_66 = tpu.memref_squeeze %dma_wait3A_65 : memref<1x16384xi32, #tpu.memory_space<hbm>> -> memref<16384xi32, #tpu.memory_space<hbm>>
          %dma_wait3A_67 = arith.constant 0 : i32
          %dma_wait3A_68 = tpu.memref_slice %arg3[%min3A_27, %dma_wait3A_67] : memref<26x16384xi32, #tpu.memory_space<hbm>> -> memref<1x16384xi32, #tpu.memory_space<hbm>>
          %dma_wait3A_69 = tpu.memref_squeeze %dma_wait3A_68 : memref<1x16384xi32, #tpu.memory_space<hbm>> -> memref<16384xi32, #tpu.memory_space<hbm>>
          tpu.wait_dma2 semaphore(%run_scoped3A : memref<!tpu.dma_semaphore, #tpu.memory_space<semaphore_mem>>) src(%dma_wait3A_69 : memref<16384xi32, #tpu.memory_space<hbm>>) dst(%arg6 : memref<16384xi32, #tpu.memory_space<vmem>>)
          tpu.yield
        }) : () -> ()
      } else {
      }
      "tpu.region"() ({
        %run_scoped3A = tpu.sem_alloc : memref<!tpu.dma_semaphore, #tpu.memory_space<semaphore_mem>>
        %dma_start3A = arith.constant 0 : i32
        %dma_start3A_60 = tpu.memref_slice %arg2[%min3A_22, %dma_start3A] : memref<1304x100096xf32, #tpu.memory_space<hbm>> -> memref<1x100096xf32, #tpu.memory_space<hbm>>
        %dma_start3A_61 = tpu.memref_squeeze %dma_start3A_60 : memref<1x100096xf32, #tpu.memory_space<hbm>> -> memref<100096xf32, #tpu.memory_space<hbm>>
        %dma_start3A_62 = arith.constant 0 : i32
        %dma_start3A_63 = tpu.memref_slice %arg2[%min3A_22, %dma_start3A_62] : memref<1304x100096xf32, #tpu.memory_space<hbm>> -> memref<1x100096xf32, #tpu.memory_space<hbm>>
        %dma_start3A_64 = tpu.memref_squeeze %dma_start3A_63 : memref<1x100096xf32, #tpu.memory_space<hbm>> -> memref<100096xf32, #tpu.memory_space<hbm>>
        tpu.enqueue_dma source(%dma_start3A_64 : memref<100096xf32, #tpu.memory_space<hbm>>) target(%arg5 : memref<100096xf32, #tpu.memory_space<vmem>>) target_semaphore(%run_scoped3A : memref<!tpu.dma_semaphore, #tpu.memory_space<semaphore_mem>>)
        %dma_wait3A = arith.constant 0 : i32
        %dma_wait3A_65 = tpu.memref_slice %arg2[%min3A_22, %dma_wait3A] : memref<1304x100096xf32, #tpu.memory_space<hbm>> -> memref<1x100096xf32, #tpu.memory_space<hbm>>
        %dma_wait3A_66 = tpu.memref_squeeze %dma_wait3A_65 : memref<1x100096xf32, #tpu.memory_space<hbm>> -> memref<100096xf32, #tpu.memory_space<hbm>>
        %dma_wait3A_67 = arith.constant 0 : i32
        %dma_wait3A_68 = tpu.memref_slice %arg2[%min3A_22, %dma_wait3A_67] : memref<1304x100096xf32, #tpu.memory_space<hbm>> -> memref<1x100096xf32, #tpu.memory_space<hbm>>
        %dma_wait3A_69 = tpu.memref_squeeze %dma_wait3A_68 : memref<1x100096xf32, #tpu.memory_space<hbm>> -> memref<100096xf32, #tpu.memory_space<hbm>>
        tpu.wait_dma2 semaphore(%run_scoped3A : memref<!tpu.dma_semaphore, #tpu.memory_space<semaphore_mem>>) src(%dma_wait3A_69 : memref<100096xf32, #tpu.memory_space<hbm>>) dst(%arg5 : memref<100096xf32, #tpu.memory_space<vmem>>)
        tpu.yield
      }) : () -> ()
      %scan3A = arith.constant 0 : i32
      %scan3A_29 = arith.constant 0 : i32
      %scan3A_30 = arith.constant 32 : i32
      %scan3A_31 = arith.addi %scan3A_29, %scan3A_30 : i32
      %scan3A_32 = arith.constant 1 : i32
      %scan3A_33 = scf.for %scan3A_60 = %scan3A_29 to %scan3A_31 step %scan3A_32 iter_args(%scan3A_61 = %scan3A) -> (i32)  : i32 {
        %mul3A_62 = arith.constant 128 : i32
        %mul3A_63 = arith.muli %scan3A_60, %mul3A_62 : i32
        %add3A_64 = arith.constant 0 : i32
        %add3A_65 = arith.addi %add3A_64, %mul3A_63 : i32
        %add3A_66 = arith.constant 0 : i32
        %add3A_67 = arith.addi %add3A_65, %add3A_66 : i32
        %get3A = arith.index_cast %add3A_67 : i32 to index
        %get3A_68 = tpu.vector_load %arg6[%get3A] {strides = array<i32>} : memref<16384xi32, #tpu.memory_space<vmem>>, vector<16xi32>,
        %gather3A = tpu.vector_load_idx %arg5[%get3A_68] : memref<100096xf32, #tpu.memory_space<vmem>>[vector<16xi32>], vector<16xf32>,
        %mul3A_69 = arith.constant 128 : i32
        %mul3A_70 = arith.muli %scan3A_60, %mul3A_69 : i32
        %add3A_71 = arith.constant 0 : i32
        %add3A_72 = arith.addi %add3A_71, %mul3A_70 : i32
        %add3A_73 = arith.constant 0 : i32
        %add3A_74 = arith.addi %add3A_72, %add3A_73 : i32
        %swap3A = arith.index_cast %add3A_74 : i32 to index
        %swap3A_75 = tpu.vector_load %arg7[%swap3A] {strides = array<i32>} : memref<8192xf32, #tpu.memory_space<vmem>>, vector<16xf32>,
        tpu.vector_store %arg7[%swap3A], %gather3A {strides = array<i32>} : memref<8192xf32, #tpu.memory_space<vmem>>, vector<16xf32>,
        %add3A_76 = arith.constant 16 : i32
        %add3A_77 = arith.addi %add3A_65, %add3A_76 : i32
        %get3A_78 = arith.index_cast %add3A_77 : i32 to index
        %get3A_79 = tpu.vector_load %arg6[%get3A_78] {strides = array<i32>} : memref<16384xi32, #tpu.memory_space<vmem>>, vector<16xi32>,
        %gather3A_80 = tpu.vector_load_idx %arg5[%get3A_79] : memref<100096xf32, #tpu.memory_space<vmem>>[vector<16xi32>], vector<16xf32>,
        %mul3A_81 = arith.constant 128 : i32
        %mul3A_82 = arith.muli %scan3A_60, %mul3A_81 : i32
        %add3A_83 = arith.constant 0 : i32
        %add3A_84 = arith.addi %add3A_83, %mul3A_82 : i32
        %add3A_85 = arith.constant 16 : i32
        %add3A_86 = arith.addi %add3A_84, %add3A_85 : i32
        %swap3A_87 = arith.index_cast %add3A_86 : i32 to index
        %swap3A_88 = tpu.vector_load %arg7[%swap3A_87] {strides = array<i32>} : memref<8192xf32, #tpu.memory_space<vmem>>, vector<16xf32>,
        tpu.vector_store %arg7[%swap3A_87], %gather3A_80 {strides = array<i32>} : memref<8192xf32, #tpu.memory_space<vmem>>, vector<16xf32>,
        %add3A_89 = arith.constant 32 : i32
        %add3A_90 = arith.addi %add3A_65, %add3A_89 : i32
        %get3A_91 = arith.index_cast %add3A_90 : i32 to index
        %get3A_92 = tpu.vector_load %arg6[%get3A_91] {strides = array<i32>} : memref<16384xi32, #tpu.memory_space<vmem>>, vector<16xi32>,
        %gather3A_93 = tpu.vector_load_idx %arg5[%get3A_92] : memref<100096xf32, #tpu.memory_space<vmem>>[vector<16xi32>], vector<16xf32>,
        %mul3A_94 = arith.constant 128 : i32
        %mul3A_95 = arith.muli %scan3A_60, %mul3A_94 : i32
        %add3A_96 = arith.constant 0 : i32
        %add3A_97 = arith.addi %add3A_96, %mul3A_95 : i32
        %add3A_98 = arith.constant 32 : i32
        %add3A_99 = arith.addi %add3A_97, %add3A_98 : i32
        %swap3A_100 = arith.index_cast %add3A_99 : i32 to index
        %swap3A_101 = tpu.vector_load %arg7[%swap3A_100] {strides = array<i32>} : memref<8192xf32, #tpu.memory_space<vmem>>, vector<16xf32>,
        tpu.vector_store %arg7[%swap3A_100], %gather3A_93 {strides = array<i32>} : memref<8192xf32, #tpu.memory_space<vmem>>, vector<16xf32>,
        %add3A_102 = arith.constant 48 : i32
        %add3A_103 = arith.addi %add3A_65, %add3A_102 : i32
        %get3A_104 = arith.index_cast %add3A_103 : i32 to index
        %get3A_105 = tpu.vector_load %arg6[%get3A_104] {strides = array<i32>} : memref<16384xi32, #tpu.memory_space<vmem>>, vector<16xi32>,
        %gather3A_106 = tpu.vector_load_idx %arg5[%get3A_105] : memref<100096xf32, #tpu.memory_space<vmem>>[vector<16xi32>], vector<16xf32>,
        %mul3A_107 = arith.constant 128 : i32
        %mul3A_108 = arith.muli %scan3A_60, %mul3A_107 : i32
        %add3A_109 = arith.constant 0 : i32
        %add3A_110 = arith.addi %add3A_109, %mul3A_108 : i32
        %add3A_111 = arith.constant 48 : i32
        %add3A_112 = arith.addi %add3A_110, %add3A_111 : i32
        %swap3A_113 = arith.index_cast %add3A_112 : i32 to index
        %swap3A_114 = tpu.vector_load %arg7[%swap3A_113] {strides = array<i32>} : memref<8192xf32, #tpu.memory_space<vmem>>, vector<16xf32>,
        tpu.vector_store %arg7[%swap3A_113], %gather3A_106 {strides = array<i32>} : memref<8192xf32, #tpu.memory_space<vmem>>, vector<16xf32>,
        %add3A_115 = arith.constant 64 : i32
        %add3A_116 = arith.addi %add3A_65, %add3A_115 : i32
        %get3A_117 = arith.index_cast %add3A_116 : i32 to index
        %get3A_118 = tpu.vector_load %arg6[%get3A_117] {strides = array<i32>} : memref<16384xi32, #tpu.memory_space<vmem>>, vector<16xi32>,
        %gather3A_119 = tpu.vector_load_idx %arg5[%get3A_118] : memref<100096xf32, #tpu.memory_space<vmem>>[vector<16xi32>], vector<16xf32>,
        %mul3A_120 = arith.constant 128 : i32
        %mul3A_121 = arith.muli %scan3A_60, %mul3A_120 : i32
        %add3A_122 = arith.constant 0 : i32
        %add3A_123 = arith.addi %add3A_122, %mul3A_121 : i32
        %add3A_124 = arith.constant 64 : i32
        %add3A_125 = arith.addi %add3A_123, %add3A_124 : i32
        %swap3A_126 = arith.index_cast %add3A_125 : i32 to index
        %swap3A_127 = tpu.vector_load %arg7[%swap3A_126] {strides = array<i32>} : memref<8192xf32, #tpu.memory_space<vmem>>, vector<16xf32>,
        tpu.vector_store %arg7[%swap3A_126], %gather3A_119 {strides = array<i32>} : memref<8192xf32, #tpu.memory_space<vmem>>, vector<16xf32>,
        %add3A_128 = arith.constant 80 : i32
        %add3A_129 = arith.addi %add3A_65, %add3A_128 : i32
        %get3A_130 = arith.index_cast %add3A_129 : i32 to index
        %get3A_131 = tpu.vector_load %arg6[%get3A_130] {strides = array<i32>} : memref<16384xi32, #tpu.memory_space<vmem>>, vector<16xi32>,
        %gather3A_132 = tpu.vector_load_idx %arg5[%get3A_131] : memref<100096xf32, #tpu.memory_space<vmem>>[vector<16xi32>], vector<16xf32>,
        %mul3A_133 = arith.constant 128 : i32
        %mul3A_134 = arith.muli %scan3A_60, %mul3A_133 : i32
        %add3A_135 = arith.constant 0 : i32
        %add3A_136 = arith.addi %add3A_135, %mul3A_134 : i32
        %add3A_137 = arith.constant 80 : i32
        %add3A_138 = arith.addi %add3A_136, %add3A_137 : i32
        %swap3A_139 = arith.index_cast %add3A_138 : i32 to index
        %swap3A_140 = tpu.vector_load %arg7[%swap3A_139] {strides = array<i32>} : memref<8192xf32, #tpu.memory_space<vmem>>, vector<16xf32>,
        tpu.vector_store %arg7[%swap3A_139], %gather3A_132 {strides = array<i32>} : memref<8192xf32, #tpu.memory_space<vmem>>, vector<16xf32>,
        %add3A_141 = arith.constant 96 : i32
        %add3A_142 = arith.addi %add3A_65, %add3A_141 : i32
        %get3A_143 = arith.index_cast %add3A_142 : i32 to index
        %get3A_144 = tpu.vector_load %arg6[%get3A_143] {strides = array<i32>} : memref<16384xi32, #tpu.memory_space<vmem>>, vector<16xi32>,
        %gather3A_145 = tpu.vector_load_idx %arg5[%get3A_144] : memref<100096xf32, #tpu.memory_space<vmem>>[vector<16xi32>], vector<16xf32>,
        %mul3A_146 = arith.constant 128 : i32
        %mul3A_147 = arith.muli %scan3A_60, %mul3A_146 : i32
        %add3A_148 = arith.constant 0 : i32
        %add3A_149 = arith.addi %add3A_148, %mul3A_147 : i32
        %add3A_150 = arith.constant 96 : i32
        %add3A_151 = arith.addi %add3A_149, %add3A_150 : i32
        %swap3A_152 = arith.index_cast %add3A_151 : i32 to index
        %swap3A_153 = tpu.vector_load %arg7[%swap3A_152] {strides = array<i32>} : memref<8192xf32, #tpu.memory_space<vmem>>, vector<16xf32>,
        tpu.vector_store %arg7[%swap3A_152], %gather3A_145 {strides = array<i32>} : memref<8192xf32, #tpu.memory_space<vmem>>, vector<16xf32>,
        %add3A_154 = arith.constant 112 : i32
        %add3A_155 = arith.addi %add3A_65, %add3A_154 : i32
        %get3A_156 = arith.index_cast %add3A_155 : i32 to index
        %get3A_157 = tpu.vector_load %arg6[%get3A_156] {strides = array<i32>} : memref<16384xi32, #tpu.memory_space<vmem>>, vector<16xi32>,
        %gather3A_158 = tpu.vector_load_idx %arg5[%get3A_157] : memref<100096xf32, #tpu.memory_space<vmem>>[vector<16xi32>], vector<16xf32>,
        %mul3A_159 = arith.constant 128 : i32
        %mul3A_160 = arith.muli %scan3A_60, %mul3A_159 : i32
        %add3A_161 = arith.constant 0 : i32
        %add3A_162 = arith.addi %add3A_161, %mul3A_160 : i32
        %add3A_163 = arith.constant 112 : i32
        %add3A_164 = arith.addi %add3A_162, %add3A_163 : i32
        %swap3A_165 = arith.index_cast %add3A_164 : i32 to index
        %swap3A_166 = tpu.vector_load %arg7[%swap3A_165] {strides = array<i32>} : memref<8192xf32, #tpu.memory_space<vmem>>, vector<16xf32>,
        tpu.vector_store %arg7[%swap3A_165], %gather3A_158 {strides = array<i32>} : memref<8192xf32, #tpu.memory_space<vmem>>, vector<16xf32>,
        %scan3A_167 = arith.constant 0 : i32
        scf.yield %scan3A_167 : i32
      }
      %scan3A_34 = arith.constant 32 : i32
      %add3A_35 = arith.addi %add3A_4, %while3A_18 : i32
      "tpu.region"() ({
        %run_scoped3A = tpu.sem_alloc : memref<!tpu.dma_semaphore, #tpu.memory_space<semaphore_mem>>
        %dma_start3A = arith.constant 0 : i32
        %dma_start3A_60 = tpu.memref_slice %arg7[%dma_start3A] : memref<8192xf32, #tpu.memory_space<vmem>> -> memref<4096xf32, #tpu.memory_space<vmem>>
        %dma_start3A_61 = arith.constant 0 : i32
        %dma_start3A_62 = tpu.memref_slice %arg4[%add3A_35, %dma_start3A_61] : memref<1304x16384xf32, #tpu.memory_space<hbm>> -> memref<1x4096xf32, #tpu.memory_space<hbm>>
        %dma_start3A_63 = tpu.memref_squeeze %dma_start3A_62 : memref<1x4096xf32, #tpu.memory_space<hbm>> -> memref<4096xf32, #tpu.memory_space<hbm>>
        %dma_start3A_64 = arith.constant 0 : i32
        %dma_start3A_65 = tpu.memref_slice %arg4[%add3A_35, %dma_start3A_64] : memref<1304x16384xf32, #tpu.memory_space<hbm>> -> memref<1x4096xf32, #tpu.memory_space<hbm>>
        %dma_start3A_66 = tpu.memref_squeeze %dma_start3A_65 : memref<1x4096xf32, #tpu.memory_space<hbm>> -> memref<4096xf32, #tpu.memory_space<hbm>>
        %dma_start3A_67 = arith.constant 0 : i32
        %dma_start3A_68 = tpu.memref_slice %arg7[%dma_start3A_67] : memref<8192xf32, #tpu.memory_space<vmem>> -> memref<4096xf32, #tpu.memory_space<vmem>>
        tpu.enqueue_dma source(%dma_start3A_68 : memref<4096xf32, #tpu.memory_space<vmem>>) target(%dma_start3A_66 : memref<4096xf32, #tpu.memory_space<hbm>>) target_semaphore(%run_scoped3A : memref<!tpu.dma_semaphore, #tpu.memory_space<semaphore_mem>>)
        %dma_wait3A = arith.constant 0 : i32
        %dma_wait3A_69 = tpu.memref_slice %arg7[%dma_wait3A] : memref<8192xf32, #tpu.memory_space<vmem>> -> memref<4096xf32, #tpu.memory_space<vmem>>
        %dma_wait3A_70 = arith.constant 0 : i32
        %dma_wait3A_71 = tpu.memref_slice %arg4[%add3A_35, %dma_wait3A_70] : memref<1304x16384xf32, #tpu.memory_space<hbm>> -> memref<1x4096xf32, #tpu.memory_space<hbm>>
        %dma_wait3A_72 = tpu.memref_squeeze %dma_wait3A_71 : memref<1x4096xf32, #tpu.memory_space<hbm>> -> memref<4096xf32, #tpu.memory_space<hbm>>
        %dma_wait3A_73 = arith.constant 0 : i32
        %dma_wait3A_74 = tpu.memref_slice %arg4[%add3A_35, %dma_wait3A_73] : memref<1304x16384xf32, #tpu.memory_space<hbm>> -> memref<1x4096xf32, #tpu.memory_space<hbm>>
        %dma_wait3A_75 = tpu.memref_squeeze %dma_wait3A_74 : memref<1x4096xf32, #tpu.memory_space<hbm>> -> memref<4096xf32, #tpu.memory_space<hbm>>
        %dma_wait3A_76 = arith.constant 0 : i32
        %dma_wait3A_77 = tpu.memref_slice %arg7[%dma_wait3A_76] : memref<8192xf32, #tpu.memory_space<vmem>> -> memref<4096xf32, #tpu.memory_space<vmem>>
        tpu.wait_dma2 semaphore(%run_scoped3A : memref<!tpu.dma_semaphore, #tpu.memory_space<semaphore_mem>>) src(%dma_wait3A_77 : memref<4096xf32, #tpu.memory_space<vmem>>) dst(%dma_wait3A_75 : memref<4096xf32, #tpu.memory_space<hbm>>)
        tpu.yield
      }) : () -> ()
      %scan3A_36 = arith.constant 0 : i32
      %scan3A_37 = arith.constant 0 : i32
      %scan3A_38 = arith.constant 32 : i32
      %scan3A_39 = arith.addi %scan3A_37, %scan3A_38 : i32
      %scan3A_40 = arith.constant 1 : i32
      %scan3A_41 = scf.for %scan3A_60 = %scan3A_37 to %scan3A_39 step %scan3A_40 iter_args(%scan3A_61 = %scan3A_36) -> (i32)  : i32 {
        %mul3A_62 = arith.constant 128 : i32
        %mul3A_63 = arith.muli %scan3A_60, %mul3A_62 : i32
        %add3A_64 = arith.constant 4096 : i32
        %add3A_65 = arith.addi %add3A_64, %mul3A_63 : i32
        %add3A_66 = arith.constant 0 : i32
        %add3A_67 = arith.addi %add3A_65, %add3A_66 : i32
        %get3A = arith.index_cast %add3A_67 : i32 to index
        %get3A_68 = tpu.vector_load %arg6[%get3A] {strides = array<i32>} : memref<16384xi32, #tpu.memory_space<vmem>>, vector<16xi32>,
        %gather3A = tpu.vector_load_idx %arg5[%get3A_68] : memref<100096xf32, #tpu.memory_space<vmem>>[vector<16xi32>], vector<16xf32>,
        %mul3A_69 = arith.constant 128 : i32
        %mul3A_70 = arith.muli %scan3A_60, %mul3A_69 : i32
        %add3A_71 = arith.constant 4096 : i32
        %add3A_72 = arith.addi %add3A_71, %mul3A_70 : i32
        %add3A_73 = arith.constant 0 : i32
        %add3A_74 = arith.addi %add3A_72, %add3A_73 : i32
        %swap3A = arith.index_cast %add3A_74 : i32 to index
        %swap3A_75 = tpu.vector_load %arg7[%swap3A] {strides = array<i32>} : memref<8192xf32, #tpu.memory_space<vmem>>, vector<16xf32>,
        tpu.vector_store %arg7[%swap3A], %gather3A {strides = array<i32>} : memref<8192xf32, #tpu.memory_space<vmem>>, vector<16xf32>,
        %add3A_76 = arith.constant 16 : i32
        %add3A_77 = arith.addi %add3A_65, %add3A_76 : i32
        %get3A_78 = arith.index_cast %add3A_77 : i32 to index
        %get3A_79 = tpu.vector_load %arg6[%get3A_78] {strides = array<i32>} : memref<16384xi32, #tpu.memory_space<vmem>>, vector<16xi32>,
        %gather3A_80 = tpu.vector_load_idx %arg5[%get3A_79] : memref<100096xf32, #tpu.memory_space<vmem>>[vector<16xi32>], vector<16xf32>,
        %mul3A_81 = arith.constant 128 : i32
        %mul3A_82 = arith.muli %scan3A_60, %mul3A_81 : i32
        %add3A_83 = arith.constant 4096 : i32
        %add3A_84 = arith.addi %add3A_83, %mul3A_82 : i32
        %add3A_85 = arith.constant 16 : i32
        %add3A_86 = arith.addi %add3A_84, %add3A_85 : i32
        %swap3A_87 = arith.index_cast %add3A_86 : i32 to index
        %swap3A_88 = tpu.vector_load %arg7[%swap3A_87] {strides = array<i32>} : memref<8192xf32, #tpu.memory_space<vmem>>, vector<16xf32>,
        tpu.vector_store %arg7[%swap3A_87], %gather3A_80 {strides = array<i32>} : memref<8192xf32, #tpu.memory_space<vmem>>, vector<16xf32>,
        %add3A_89 = arith.constant 32 : i32
        %add3A_90 = arith.addi %add3A_65, %add3A_89 : i32
        %get3A_91 = arith.index_cast %add3A_90 : i32 to index
        %get3A_92 = tpu.vector_load %arg6[%get3A_91] {strides = array<i32>} : memref<16384xi32, #tpu.memory_space<vmem>>, vector<16xi32>,
        %gather3A_93 = tpu.vector_load_idx %arg5[%get3A_92] : memref<100096xf32, #tpu.memory_space<vmem>>[vector<16xi32>], vector<16xf32>,
        %mul3A_94 = arith.constant 128 : i32
        %mul3A_95 = arith.muli %scan3A_60, %mul3A_94 : i32
        %add3A_96 = arith.constant 4096 : i32
        %add3A_97 = arith.addi %add3A_96, %mul3A_95 : i32
        %add3A_98 = arith.constant 32 : i32
        %add3A_99 = arith.addi %add3A_97, %add3A_98 : i32
        %swap3A_100 = arith.index_cast %add3A_99 : i32 to index
        %swap3A_101 = tpu.vector_load %arg7[%swap3A_100] {strides = array<i32>} : memref<8192xf32, #tpu.memory_space<vmem>>, vector<16xf32>,
        tpu.vector_store %arg7[%swap3A_100], %gather3A_93 {strides = array<i32>} : memref<8192xf32, #tpu.memory_space<vmem>>, vector<16xf32>,
        %add3A_102 = arith.constant 48 : i32
        %add3A_103 = arith.addi %add3A_65, %add3A_102 : i32
        %get3A_104 = arith.index_cast %add3A_103 : i32 to index
        %get3A_105 = tpu.vector_load %arg6[%get3A_104] {strides = array<i32>} : memref<16384xi32, #tpu.memory_space<vmem>>, vector<16xi32>,
        %gather3A_106 = tpu.vector_load_idx %arg5[%get3A_105] : memref<100096xf32, #tpu.memory_space<vmem>>[vector<16xi32>], vector<16xf32>,
        %mul3A_107 = arith.constant 128 : i32
        %mul3A_108 = arith.muli %scan3A_60, %mul3A_107 : i32
        %add3A_109 = arith.constant 4096 : i32
        %add3A_110 = arith.addi %add3A_109, %mul3A_108 : i32
        %add3A_111 = arith.constant 48 : i32
        %add3A_112 = arith.addi %add3A_110, %add3A_111 : i32
        %swap3A_113 = arith.index_cast %add3A_112 : i32 to index
        %swap3A_114 = tpu.vector_load %arg7[%swap3A_113] {strides = array<i32>} : memref<8192xf32, #tpu.memory_space<vmem>>, vector<16xf32>,
        tpu.vector_store %arg7[%swap3A_113], %gather3A_106 {strides = array<i32>} : memref<8192xf32, #tpu.memory_space<vmem>>, vector<16xf32>,
        %add3A_115 = arith.constant 64 : i32
        %add3A_116 = arith.addi %add3A_65, %add3A_115 : i32
        %get3A_117 = arith.index_cast %add3A_116 : i32 to index
        %get3A_118 = tpu.vector_load %arg6[%get3A_117] {strides = array<i32>} : memref<16384xi32, #tpu.memory_space<vmem>>, vector<16xi32>,
        %gather3A_119 = tpu.vector_load_idx %arg5[%get3A_118] : memref<100096xf32, #tpu.memory_space<vmem>>[vector<16xi32>], vector<16xf32>,
        %mul3A_120 = arith.constant 128 : i32
        %mul3A_121 = arith.muli %scan3A_60, %mul3A_120 : i32
        %add3A_122 = arith.constant 4096 : i32
        %add3A_123 = arith.addi %add3A_122, %mul3A_121 : i32
        %add3A_124 = arith.constant 64 : i32
        %add3A_125 = arith.addi %add3A_123, %add3A_124 : i32
        %swap3A_126 = arith.index_cast %add3A_125 : i32 to index
        %swap3A_127 = tpu.vector_load %arg7[%swap3A_126] {strides = array<i32>} : memref<8192xf32, #tpu.memory_space<vmem>>, vector<16xf32>,
        tpu.vector_store %arg7[%swap3A_126], %gather3A_119 {strides = array<i32>} : memref<8192xf32, #tpu.memory_space<vmem>>, vector<16xf32>,
        %add3A_128 = arith.constant 80 : i32
        %add3A_129 = arith.addi %add3A_65, %add3A_128 : i32
        %get3A_130 = arith.index_cast %add3A_129 : i32 to index
        %get3A_131 = tpu.vector_load %arg6[%get3A_130] {strides = array<i32>} : memref<16384xi32, #tpu.memory_space<vmem>>, vector<16xi32>,
        %gather3A_132 = tpu.vector_load_idx %arg5[%get3A_131] : memref<100096xf32, #tpu.memory_space<vmem>>[vector<16xi32>], vector<16xf32>,
        %mul3A_133 = arith.constant 128 : i32
        %mul3A_134 = arith.muli %scan3A_60, %mul3A_133 : i32
        %add3A_135 = arith.constant 4096 : i32
        %add3A_136 = arith.addi %add3A_135, %mul3A_134 : i32
        %add3A_137 = arith.constant 80 : i32
        %add3A_138 = arith.addi %add3A_136, %add3A_137 : i32
        %swap3A_139 = arith.index_cast %add3A_138 : i32 to index
        %swap3A_140 = tpu.vector_load %arg7[%swap3A_139] {strides = array<i32>} : memref<8192xf32, #tpu.memory_space<vmem>>, vector<16xf32>,
        tpu.vector_store %arg7[%swap3A_139], %gather3A_132 {strides = array<i32>} : memref<8192xf32, #tpu.memory_space<vmem>>, vector<16xf32>,
        %add3A_141 = arith.constant 96 : i32
        %add3A_142 = arith.addi %add3A_65, %add3A_141 : i32
        %get3A_143 = arith.index_cast %add3A_142 : i32 to index
        %get3A_144 = tpu.vector_load %arg6[%get3A_143] {strides = array<i32>} : memref<16384xi32, #tpu.memory_space<vmem>>, vector<16xi32>,
        %gather3A_145 = tpu.vector_load_idx %arg5[%get3A_144] : memref<100096xf32, #tpu.memory_space<vmem>>[vector<16xi32>], vector<16xf32>,
        %mul3A_146 = arith.constant 128 : i32
        %mul3A_147 = arith.muli %scan3A_60, %mul3A_146 : i32
        %add3A_148 = arith.constant 4096 : i32
        %add3A_149 = arith.addi %add3A_148, %mul3A_147 : i32
        %add3A_150 = arith.constant 96 : i32
        %add3A_151 = arith.addi %add3A_149, %add3A_150 : i32
        %swap3A_152 = arith.index_cast %add3A_151 : i32 to index
        %swap3A_153 = tpu.vector_load %arg7[%swap3A_152] {strides = array<i32>} : memref<8192xf32, #tpu.memory_space<vmem>>, vector<16xf32>,
        tpu.vector_store %arg7[%swap3A_152], %gather3A_145 {strides = array<i32>} : memref<8192xf32, #tpu.memory_space<vmem>>, vector<16xf32>,
        %add3A_154 = arith.constant 112 : i32
        %add3A_155 = arith.addi %add3A_65, %add3A_154 : i32
        %get3A_156 = arith.index_cast %add3A_155 : i32 to index
        %get3A_157 = tpu.vector_load %arg6[%get3A_156] {strides = array<i32>} : memref<16384xi32, #tpu.memory_space<vmem>>, vector<16xi32>,
        %gather3A_158 = tpu.vector_load_idx %arg5[%get3A_157] : memref<100096xf32, #tpu.memory_space<vmem>>[vector<16xi32>], vector<16xf32>,
        %mul3A_159 = arith.constant 128 : i32
        %mul3A_160 = arith.muli %scan3A_60, %mul3A_159 : i32
        %add3A_161 = arith.constant 4096 : i32
        %add3A_162 = arith.addi %add3A_161, %mul3A_160 : i32
        %add3A_163 = arith.constant 112 : i32
        %add3A_164 = arith.addi %add3A_162, %add3A_163 : i32
        %swap3A_165 = arith.index_cast %add3A_164 : i32 to index
        %swap3A_166 = tpu.vector_load %arg7[%swap3A_165] {strides = array<i32>} : memref<8192xf32, #tpu.memory_space<vmem>>, vector<16xf32>,
        tpu.vector_store %arg7[%swap3A_165], %gather3A_158 {strides = array<i32>} : memref<8192xf32, #tpu.memory_space<vmem>>, vector<16xf32>,
        %scan3A_167 = arith.constant 0 : i32
        scf.yield %scan3A_167 : i32
      }
      %scan3A_42 = arith.constant 32 : i32
      %add3A_43 = arith.addi %add3A_4, %while3A_18 : i32
      "tpu.region"() ({
        %run_scoped3A = tpu.sem_alloc : memref<!tpu.dma_semaphore, #tpu.memory_space<semaphore_mem>>
        %dma_start3A = arith.constant 4096 : i32
        %dma_start3A_60 = tpu.memref_slice %arg7[%dma_start3A] : memref<8192xf32, #tpu.memory_space<vmem>> -> memref<4096xf32, #tpu.memory_space<vmem>>
        %dma_start3A_61 = arith.constant 4096 : i32
        %dma_start3A_62 = tpu.memref_slice %arg4[%add3A_43, %dma_start3A_61] : memref<1304x16384xf32, #tpu.memory_space<hbm>> -> memref<1x4096xf32, #tpu.memory_space<hbm>>
        %dma_start3A_63 = tpu.memref_squeeze %dma_start3A_62 : memref<1x4096xf32, #tpu.memory_space<hbm>> -> memref<4096xf32, #tpu.memory_space<hbm>>
        %dma_start3A_64 = arith.constant 4096 : i32
        %dma_start3A_65 = tpu.memref_slice %arg4[%add3A_43, %dma_start3A_64] : memref<1304x16384xf32, #tpu.memory_space<hbm>> -> memref<1x4096xf32, #tpu.memory_space<hbm>>
        %dma_start3A_66 = tpu.memref_squeeze %dma_start3A_65 : memref<1x4096xf32, #tpu.memory_space<hbm>> -> memref<4096xf32, #tpu.memory_space<hbm>>
        %dma_start3A_67 = arith.constant 4096 : i32
        %dma_start3A_68 = tpu.memref_slice %arg7[%dma_start3A_67] : memref<8192xf32, #tpu.memory_space<vmem>> -> memref<4096xf32, #tpu.memory_space<vmem>>
        tpu.enqueue_dma source(%dma_start3A_68 : memref<4096xf32, #tpu.memory_space<vmem>>) target(%dma_start3A_66 : memref<4096xf32, #tpu.memory_space<hbm>>) target_semaphore(%run_scoped3A : memref<!tpu.dma_semaphore, #tpu.memory_space<semaphore_mem>>)
        %dma_wait3A = arith.constant 4096 : i32
        %dma_wait3A_69 = tpu.memref_slice %arg7[%dma_wait3A] : memref<8192xf32, #tpu.memory_space<vmem>> -> memref<4096xf32, #tpu.memory_space<vmem>>
        %dma_wait3A_70 = arith.constant 4096 : i32
        %dma_wait3A_71 = tpu.memref_slice %arg4[%add3A_43, %dma_wait3A_70] : memref<1304x16384xf32, #tpu.memory_space<hbm>> -> memref<1x4096xf32, #tpu.memory_space<hbm>>
        %dma_wait3A_72 = tpu.memref_squeeze %dma_wait3A_71 : memref<1x4096xf32, #tpu.memory_space<hbm>> -> memref<4096xf32, #tpu.memory_space<hbm>>
        %dma_wait3A_73 = arith.constant 4096 : i32
        %dma_wait3A_74 = tpu.memref_slice %arg4[%add3A_43, %dma_wait3A_73] : memref<1304x16384xf32, #tpu.memory_space<hbm>> -> memref<1x4096xf32, #tpu.memory_space<hbm>>
        %dma_wait3A_75 = tpu.memref_squeeze %dma_wait3A_74 : memref<1x4096xf32, #tpu.memory_space<hbm>> -> memref<4096xf32, #tpu.memory_space<hbm>>
        %dma_wait3A_76 = arith.constant 4096 : i32
        %dma_wait3A_77 = tpu.memref_slice %arg7[%dma_wait3A_76] : memref<8192xf32, #tpu.memory_space<vmem>> -> memref<4096xf32, #tpu.memory_space<vmem>>
        tpu.wait_dma2 semaphore(%run_scoped3A : memref<!tpu.dma_semaphore, #tpu.memory_space<semaphore_mem>>) src(%dma_wait3A_77 : memref<4096xf32, #tpu.memory_space<vmem>>) dst(%dma_wait3A_75 : memref<4096xf32, #tpu.memory_space<hbm>>)
        tpu.yield
      }) : () -> ()
      %scan3A_44 = arith.constant 0 : i32
      %scan3A_45 = arith.constant 0 : i32
      %scan3A_46 = arith.constant 32 : i32
      %scan3A_47 = arith.addi %scan3A_45, %scan3A_46 : i32
      %scan3A_48 = arith.constant 1 : i32
      %scan3A_49 = scf.for %scan3A_60 = %scan3A_45 to %scan3A_47 step %scan3A_48 iter_args(%scan3A_61 = %scan3A_44) -> (i32)  : i32 {
        %mul3A_62 = arith.constant 128 : i32
        %mul3A_63 = arith.muli %scan3A_60, %mul3A_62 : i32
        %add3A_64 = arith.constant 8192 : i32
        %add3A_65 = arith.addi %add3A_64, %mul3A_63 : i32
        %add3A_66 = arith.constant 0 : i32
        %add3A_67 = arith.addi %add3A_65, %add3A_66 : i32
        %get3A = arith.index_cast %add3A_67 : i32 to index
        %get3A_68 = tpu.vector_load %arg6[%get3A] {strides = array<i32>} : memref<16384xi32, #tpu.memory_space<vmem>>, vector<16xi32>,
        %gather3A = tpu.vector_load_idx %arg5[%get3A_68] : memref<100096xf32, #tpu.memory_space<vmem>>[vector<16xi32>], vector<16xf32>,
        %mul3A_69 = arith.constant 128 : i32
        %mul3A_70 = arith.muli %scan3A_60, %mul3A_69 : i32
        %add3A_71 = arith.constant 0 : i32
        %add3A_72 = arith.addi %add3A_71, %mul3A_70 : i32
        %add3A_73 = arith.constant 0 : i32
        %add3A_74 = arith.addi %add3A_72, %add3A_73 : i32
        %swap3A = arith.index_cast %add3A_74 : i32 to index
        %swap3A_75 = tpu.vector_load %arg7[%swap3A] {strides = array<i32>} : memref<8192xf32, #tpu.memory_space<vmem>>, vector<16xf32>,
        tpu.vector_store %arg7[%swap3A], %gather3A {strides = array<i32>} : memref<8192xf32, #tpu.memory_space<vmem>>, vector<16xf32>,
        %add3A_76 = arith.constant 16 : i32
        %add3A_77 = arith.addi %add3A_65, %add3A_76 : i32
        %get3A_78 = arith.index_cast %add3A_77 : i32 to index
        %get3A_79 = tpu.vector_load %arg6[%get3A_78] {strides = array<i32>} : memref<16384xi32, #tpu.memory_space<vmem>>, vector<16xi32>,
        %gather3A_80 = tpu.vector_load_idx %arg5[%get3A_79] : memref<100096xf32, #tpu.memory_space<vmem>>[vector<16xi32>], vector<16xf32>,
        %mul3A_81 = arith.constant 128 : i32
        %mul3A_82 = arith.muli %scan3A_60, %mul3A_81 : i32
        %add3A_83 = arith.constant 0 : i32
        %add3A_84 = arith.addi %add3A_83, %mul3A_82 : i32
        %add3A_85 = arith.constant 16 : i32
        %add3A_86 = arith.addi %add3A_84, %add3A_85 : i32
        %swap3A_87 = arith.index_cast %add3A_86 : i32 to index
        %swap3A_88 = tpu.vector_load %arg7[%swap3A_87] {strides = array<i32>} : memref<8192xf32, #tpu.memory_space<vmem>>, vector<16xf32>,
        tpu.vector_store %arg7[%swap3A_87], %gather3A_80 {strides = array<i32>} : memref<8192xf32, #tpu.memory_space<vmem>>, vector<16xf32>,
        %add3A_89 = arith.constant 32 : i32
        %add3A_90 = arith.addi %add3A_65, %add3A_89 : i32
        %get3A_91 = arith.index_cast %add3A_90 : i32 to index
        %get3A_92 = tpu.vector_load %arg6[%get3A_91] {strides = array<i32>} : memref<16384xi32, #tpu.memory_space<vmem>>, vector<16xi32>,
        %gather3A_93 = tpu.vector_load_idx %arg5[%get3A_92] : memref<100096xf32, #tpu.memory_space<vmem>>[vector<16xi32>], vector<16xf32>,
        %mul3A_94 = arith.constant 128 : i32
        %mul3A_95 = arith.muli %scan3A_60, %mul3A_94 : i32
        %add3A_96 = arith.constant 0 : i32
        %add3A_97 = arith.addi %add3A_96, %mul3A_95 : i32
        %add3A_98 = arith.constant 32 : i32
        %add3A_99 = arith.addi %add3A_97, %add3A_98 : i32
        %swap3A_100 = arith.index_cast %add3A_99 : i32 to index
        %swap3A_101 = tpu.vector_load %arg7[%swap3A_100] {strides = array<i32>} : memref<8192xf32, #tpu.memory_space<vmem>>, vector<16xf32>,
        tpu.vector_store %arg7[%swap3A_100], %gather3A_93 {strides = array<i32>} : memref<8192xf32, #tpu.memory_space<vmem>>, vector<16xf32>,
        %add3A_102 = arith.constant 48 : i32
        %add3A_103 = arith.addi %add3A_65, %add3A_102 : i32
        %get3A_104 = arith.index_cast %add3A_103 : i32 to index
        %get3A_105 = tpu.vector_load %arg6[%get3A_104] {strides = array<i32>} : memref<16384xi32, #tpu.memory_space<vmem>>, vector<16xi32>,
        %gather3A_106 = tpu.vector_load_idx %arg5[%get3A_105] : memref<100096xf32, #tpu.memory_space<vmem>>[vector<16xi32>], vector<16xf32>,
        %mul3A_107 = arith.constant 128 : i32
        %mul3A_108 = arith.muli %scan3A_60, %mul3A_107 : i32
        %add3A_109 = arith.constant 0 : i32
        %add3A_110 = arith.addi %add3A_109, %mul3A_108 : i32
        %add3A_111 = arith.constant 48 : i32
        %add3A_112 = arith.addi %add3A_110, %add3A_111 : i32
        %swap3A_113 = arith.index_cast %add3A_112 : i32 to index
        %swap3A_114 = tpu.vector_load %arg7[%swap3A_113] {strides = array<i32>} : memref<8192xf32, #tpu.memory_space<vmem>>, vector<16xf32>,
        tpu.vector_store %arg7[%swap3A_113], %gather3A_106 {strides = array<i32>} : memref<8192xf32, #tpu.memory_space<vmem>>, vector<16xf32>,
        %add3A_115 = arith.constant 64 : i32
        %add3A_116 = arith.addi %add3A_65, %add3A_115 : i32
        %get3A_117 = arith.index_cast %add3A_116 : i32 to index
        %get3A_118 = tpu.vector_load %arg6[%get3A_117] {strides = array<i32>} : memref<16384xi32, #tpu.memory_space<vmem>>, vector<16xi32>,
        %gather3A_119 = tpu.vector_load_idx %arg5[%get3A_118] : memref<100096xf32, #tpu.memory_space<vmem>>[vector<16xi32>], vector<16xf32>,
        %mul3A_120 = arith.constant 128 : i32
        %mul3A_121 = arith.muli %scan3A_60, %mul3A_120 : i32
        %add3A_122 = arith.constant 0 : i32
        %add3A_123 = arith.addi %add3A_122, %mul3A_121 : i32
        %add3A_124 = arith.constant 64 : i32
        %add3A_125 = arith.addi %add3A_123, %add3A_124 : i32
        %swap3A_126 = arith.index_cast %add3A_125 : i32 to index
        %swap3A_127 = tpu.vector_load %arg7[%swap3A_126] {strides = array<i32>} : memref<8192xf32, #tpu.memory_space<vmem>>, vector<16xf32>,
        tpu.vector_store %arg7[%swap3A_126], %gather3A_119 {strides = array<i32>} : memref<8192xf32, #tpu.memory_space<vmem>>, vector<16xf32>,
        %add3A_128 = arith.constant 80 : i32
        %add3A_129 = arith.addi %add3A_65, %add3A_128 : i32
        %get3A_130 = arith.index_cast %add3A_129 : i32 to index
        %get3A_131 = tpu.vector_load %arg6[%get3A_130] {strides = array<i32>} : memref<16384xi32, #tpu.memory_space<vmem>>, vector<16xi32>,
        %gather3A_132 = tpu.vector_load_idx %arg5[%get3A_131] : memref<100096xf32, #tpu.memory_space<vmem>>[vector<16xi32>], vector<16xf32>,
        %mul3A_133 = arith.constant 128 : i32
        %mul3A_134 = arith.muli %scan3A_60, %mul3A_133 : i32
        %add3A_135 = arith.constant 0 : i32
        %add3A_136 = arith.addi %add3A_135, %mul3A_134 : i32
        %add3A_137 = arith.constant 80 : i32
        %add3A_138 = arith.addi %add3A_136, %add3A_137 : i32
        %swap3A_139 = arith.index_cast %add3A_138 : i32 to index
        %swap3A_140 = tpu.vector_load %arg7[%swap3A_139] {strides = array<i32>} : memref<8192xf32, #tpu.memory_space<vmem>>, vector<16xf32>,
        tpu.vector_store %arg7[%swap3A_139], %gather3A_132 {strides = array<i32>} : memref<8192xf32, #tpu.memory_space<vmem>>, vector<16xf32>,
        %add3A_141 = arith.constant 96 : i32
        %add3A_142 = arith.addi %add3A_65, %add3A_141 : i32
        %get3A_143 = arith.index_cast %add3A_142 : i32 to index
        %get3A_144 = tpu.vector_load %arg6[%get3A_143] {strides = array<i32>} : memref<16384xi32, #tpu.memory_space<vmem>>, vector<16xi32>,
        %gather3A_145 = tpu.vector_load_idx %arg5[%get3A_144] : memref<100096xf32, #tpu.memory_space<vmem>>[vector<16xi32>], vector<16xf32>,
        %mul3A_146 = arith.constant 128 : i32
        %mul3A_147 = arith.muli %scan3A_60, %mul3A_146 : i32
        %add3A_148 = arith.constant 0 : i32
        %add3A_149 = arith.addi %add3A_148, %mul3A_147 : i32
        %add3A_150 = arith.constant 96 : i32
        %add3A_151 = arith.addi %add3A_149, %add3A_150 : i32
        %swap3A_152 = arith.index_cast %add3A_151 : i32 to index
        %swap3A_153 = tpu.vector_load %arg7[%swap3A_152] {strides = array<i32>} : memref<8192xf32, #tpu.memory_space<vmem>>, vector<16xf32>,
        tpu.vector_store %arg7[%swap3A_152], %gather3A_145 {strides = array<i32>} : memref<8192xf32, #tpu.memory_space<vmem>>, vector<16xf32>,
        %add3A_154 = arith.constant 112 : i32
        %add3A_155 = arith.addi %add3A_65, %add3A_154 : i32
        %get3A_156 = arith.index_cast %add3A_155 : i32 to index
        %get3A_157 = tpu.vector_load %arg6[%get3A_156] {strides = array<i32>} : memref<16384xi32, #tpu.memory_space<vmem>>, vector<16xi32>,
        %gather3A_158 = tpu.vector_load_idx %arg5[%get3A_157] : memref<100096xf32, #tpu.memory_space<vmem>>[vector<16xi32>], vector<16xf32>,
        %mul3A_159 = arith.constant 128 : i32
        %mul3A_160 = arith.muli %scan3A_60, %mul3A_159 : i32
        %add3A_161 = arith.constant 0 : i32
        %add3A_162 = arith.addi %add3A_161, %mul3A_160 : i32
        %add3A_163 = arith.constant 112 : i32
        %add3A_164 = arith.addi %add3A_162, %add3A_163 : i32
        %swap3A_165 = arith.index_cast %add3A_164 : i32 to index
        %swap3A_166 = tpu.vector_load %arg7[%swap3A_165] {strides = array<i32>} : memref<8192xf32, #tpu.memory_space<vmem>>, vector<16xf32>,
        tpu.vector_store %arg7[%swap3A_165], %gather3A_158 {strides = array<i32>} : memref<8192xf32, #tpu.memory_space<vmem>>, vector<16xf32>,
        %scan3A_167 = arith.constant 0 : i32
        scf.yield %scan3A_167 : i32
      }
      %scan3A_50 = arith.constant 32 : i32
      %add3A_51 = arith.addi %add3A_4, %while3A_18 : i32
      "tpu.region"() ({
        %run_scoped3A = tpu.sem_alloc : memref<!tpu.dma_semaphore, #tpu.memory_space<semaphore_mem>>
        %dma_start3A = arith.constant 0 : i32
        %dma_start3A_60 = tpu.memref_slice %arg7[%dma_start3A] : memref<8192xf32, #tpu.memory_space<vmem>> -> memref<4096xf32, #tpu.memory_space<vmem>>
        %dma_start3A_61 = arith.constant 8192 : i32
        %dma_start3A_62 = tpu.memref_slice %arg4[%add3A_51, %dma_start3A_61] : memref<1304x16384xf32, #tpu.memory_space<hbm>> -> memref<1x4096xf32, #tpu.memory_space<hbm>>
        %dma_start3A_63 = tpu.memref_squeeze %dma_start3A_62 : memref<1x4096xf32, #tpu.memory_space<hbm>> -> memref<4096xf32, #tpu.memory_space<hbm>>
        %dma_start3A_64 = arith.constant 8192 : i32
        %dma_start3A_65 = tpu.memref_slice %arg4[%add3A_51, %dma_start3A_64] : memref<1304x16384xf32, #tpu.memory_space<hbm>> -> memref<1x4096xf32, #tpu.memory_space<hbm>>
        %dma_start3A_66 = tpu.memref_squeeze %dma_start3A_65 : memref<1x4096xf32, #tpu.memory_space<hbm>> -> memref<4096xf32, #tpu.memory_space<hbm>>
        %dma_start3A_67 = arith.constant 0 : i32
        %dma_start3A_68 = tpu.memref_slice %arg7[%dma_start3A_67] : memref<8192xf32, #tpu.memory_space<vmem>> -> memref<4096xf32, #tpu.memory_space<vmem>>
        tpu.enqueue_dma source(%dma_start3A_68 : memref<4096xf32, #tpu.memory_space<vmem>>) target(%dma_start3A_66 : memref<4096xf32, #tpu.memory_space<hbm>>) target_semaphore(%run_scoped3A : memref<!tpu.dma_semaphore, #tpu.memory_space<semaphore_mem>>)
        %dma_wait3A = arith.constant 0 : i32
        %dma_wait3A_69 = tpu.memref_slice %arg7[%dma_wait3A] : memref<8192xf32, #tpu.memory_space<vmem>> -> memref<4096xf32, #tpu.memory_space<vmem>>
        %dma_wait3A_70 = arith.constant 8192 : i32
        %dma_wait3A_71 = tpu.memref_slice %arg4[%add3A_51, %dma_wait3A_70] : memref<1304x16384xf32, #tpu.memory_space<hbm>> -> memref<1x4096xf32, #tpu.memory_space<hbm>>
        %dma_wait3A_72 = tpu.memref_squeeze %dma_wait3A_71 : memref<1x4096xf32, #tpu.memory_space<hbm>> -> memref<4096xf32, #tpu.memory_space<hbm>>
        %dma_wait3A_73 = arith.constant 8192 : i32
        %dma_wait3A_74 = tpu.memref_slice %arg4[%add3A_51, %dma_wait3A_73] : memref<1304x16384xf32, #tpu.memory_space<hbm>> -> memref<1x4096xf32, #tpu.memory_space<hbm>>
        %dma_wait3A_75 = tpu.memref_squeeze %dma_wait3A_74 : memref<1x4096xf32, #tpu.memory_space<hbm>> -> memref<4096xf32, #tpu.memory_space<hbm>>
        %dma_wait3A_76 = arith.constant 0 : i32
        %dma_wait3A_77 = tpu.memref_slice %arg7[%dma_wait3A_76] : memref<8192xf32, #tpu.memory_space<vmem>> -> memref<4096xf32, #tpu.memory_space<vmem>>
        tpu.wait_dma2 semaphore(%run_scoped3A : memref<!tpu.dma_semaphore, #tpu.memory_space<semaphore_mem>>) src(%dma_wait3A_77 : memref<4096xf32, #tpu.memory_space<vmem>>) dst(%dma_wait3A_75 : memref<4096xf32, #tpu.memory_space<hbm>>)
        tpu.yield
      }) : () -> ()
      %scan3A_52 = arith.constant 0 : i32
      %scan3A_53 = arith.constant 0 : i32
      %scan3A_54 = arith.constant 32 : i32
      %scan3A_55 = arith.addi %scan3A_53, %scan3A_54 : i32
      %scan3A_56 = arith.constant 1 : i32
      %scan3A_57 = scf.for %scan3A_60 = %scan3A_53 to %scan3A_55 step %scan3A_56 iter_args(%scan3A_61 = %scan3A_52) -> (i32)  : i32 {
        %mul3A_62 = arith.constant 128 : i32
        %mul3A_63 = arith.muli %scan3A_60, %mul3A_62 : i32
        %add3A_64 = arith.constant 12288 : i32
        %add3A_65 = arith.addi %add3A_64, %mul3A_63 : i32
        %add3A_66 = arith.constant 0 : i32
        %add3A_67 = arith.addi %add3A_65, %add3A_66 : i32
        %get3A = arith.index_cast %add3A_67 : i32 to index
        %get3A_68 = tpu.vector_load %arg6[%get3A] {strides = array<i32>} : memref<16384xi32, #tpu.memory_space<vmem>>, vector<16xi32>,
        %gather3A = tpu.vector_load_idx %arg5[%get3A_68] : memref<100096xf32, #tpu.memory_space<vmem>>[vector<16xi32>], vector<16xf32>,
        %mul3A_69 = arith.constant 128 : i32
        %mul3A_70 = arith.muli %scan3A_60, %mul3A_69 : i32
        %add3A_71 = arith.constant 4096 : i32
        %add3A_72 = arith.addi %add3A_71, %mul3A_70 : i32
        %add3A_73 = arith.constant 0 : i32
        %add3A_74 = arith.addi %add3A_72, %add3A_73 : i32
        %swap3A = arith.index_cast %add3A_74 : i32 to index
        %swap3A_75 = tpu.vector_load %arg7[%swap3A] {strides = array<i32>} : memref<8192xf32, #tpu.memory_space<vmem>>, vector<16xf32>,
        tpu.vector_store %arg7[%swap3A], %gather3A {strides = array<i32>} : memref<8192xf32, #tpu.memory_space<vmem>>, vector<16xf32>,
        %add3A_76 = arith.constant 16 : i32
        %add3A_77 = arith.addi %add3A_65, %add3A_76 : i32
        %get3A_78 = arith.index_cast %add3A_77 : i32 to index
        %get3A_79 = tpu.vector_load %arg6[%get3A_78] {strides = array<i32>} : memref<16384xi32, #tpu.memory_space<vmem>>, vector<16xi32>,
        %gather3A_80 = tpu.vector_load_idx %arg5[%get3A_79] : memref<100096xf32, #tpu.memory_space<vmem>>[vector<16xi32>], vector<16xf32>,
        %mul3A_81 = arith.constant 128 : i32
        %mul3A_82 = arith.muli %scan3A_60, %mul3A_81 : i32
        %add3A_83 = arith.constant 4096 : i32
        %add3A_84 = arith.addi %add3A_83, %mul3A_82 : i32
        %add3A_85 = arith.constant 16 : i32
        %add3A_86 = arith.addi %add3A_84, %add3A_85 : i32
        %swap3A_87 = arith.index_cast %add3A_86 : i32 to index
        %swap3A_88 = tpu.vector_load %arg7[%swap3A_87] {strides = array<i32>} : memref<8192xf32, #tpu.memory_space<vmem>>, vector<16xf32>,
        tpu.vector_store %arg7[%swap3A_87], %gather3A_80 {strides = array<i32>} : memref<8192xf32, #tpu.memory_space<vmem>>, vector<16xf32>,
        %add3A_89 = arith.constant 32 : i32
        %add3A_90 = arith.addi %add3A_65, %add3A_89 : i32
        %get3A_91 = arith.index_cast %add3A_90 : i32 to index
        %get3A_92 = tpu.vector_load %arg6[%get3A_91] {strides = array<i32>} : memref<16384xi32, #tpu.memory_space<vmem>>, vector<16xi32>,
        %gather3A_93 = tpu.vector_load_idx %arg5[%get3A_92] : memref<100096xf32, #tpu.memory_space<vmem>>[vector<16xi32>], vector<16xf32>,
        %mul3A_94 = arith.constant 128 : i32
        %mul3A_95 = arith.muli %scan3A_60, %mul3A_94 : i32
        %add3A_96 = arith.constant 4096 : i32
        %add3A_97 = arith.addi %add3A_96, %mul3A_95 : i32
        %add3A_98 = arith.constant 32 : i32
        %add3A_99 = arith.addi %add3A_97, %add3A_98 : i32
        %swap3A_100 = arith.index_cast %add3A_99 : i32 to index
        %swap3A_101 = tpu.vector_load %arg7[%swap3A_100] {strides = array<i32>} : memref<8192xf32, #tpu.memory_space<vmem>>, vector<16xf32>,
        tpu.vector_store %arg7[%swap3A_100], %gather3A_93 {strides = array<i32>} : memref<8192xf32, #tpu.memory_space<vmem>>, vector<16xf32>,
        %add3A_102 = arith.constant 48 : i32
        %add3A_103 = arith.addi %add3A_65, %add3A_102 : i32
        %get3A_104 = arith.index_cast %add3A_103 : i32 to index
        %get3A_105 = tpu.vector_load %arg6[%get3A_104] {strides = array<i32>} : memref<16384xi32, #tpu.memory_space<vmem>>, vector<16xi32>,
        %gather3A_106 = tpu.vector_load_idx %arg5[%get3A_105] : memref<100096xf32, #tpu.memory_space<vmem>>[vector<16xi32>], vector<16xf32>,
        %mul3A_107 = arith.constant 128 : i32
        %mul3A_108 = arith.muli %scan3A_60, %mul3A_107 : i32
        %add3A_109 = arith.constant 4096 : i32
        %add3A_110 = arith.addi %add3A_109, %mul3A_108 : i32
        %add3A_111 = arith.constant 48 : i32
        %add3A_112 = arith.addi %add3A_110, %add3A_111 : i32
        %swap3A_113 = arith.index_cast %add3A_112 : i32 to index
        %swap3A_114 = tpu.vector_load %arg7[%swap3A_113] {strides = array<i32>} : memref<8192xf32, #tpu.memory_space<vmem>>, vector<16xf32>,
        tpu.vector_store %arg7[%swap3A_113], %gather3A_106 {strides = array<i32>} : memref<8192xf32, #tpu.memory_space<vmem>>, vector<16xf32>,
        %add3A_115 = arith.constant 64 : i32
        %add3A_116 = arith.addi %add3A_65, %add3A_115 : i32
        %get3A_117 = arith.index_cast %add3A_116 : i32 to index
        %get3A_118 = tpu.vector_load %arg6[%get3A_117] {strides = array<i32>} : memref<16384xi32, #tpu.memory_space<vmem>>, vector<16xi32>,
        %gather3A_119 = tpu.vector_load_idx %arg5[%get3A_118] : memref<100096xf32, #tpu.memory_space<vmem>>[vector<16xi32>], vector<16xf32>,
        %mul3A_120 = arith.constant 128 : i32
        %mul3A_121 = arith.muli %scan3A_60, %mul3A_120 : i32
        %add3A_122 = arith.constant 4096 : i32
        %add3A_123 = arith.addi %add3A_122, %mul3A_121 : i32
        %add3A_124 = arith.constant 64 : i32
        %add3A_125 = arith.addi %add3A_123, %add3A_124 : i32
        %swap3A_126 = arith.index_cast %add3A_125 : i32 to index
        %swap3A_127 = tpu.vector_load %arg7[%swap3A_126] {strides = array<i32>} : memref<8192xf32, #tpu.memory_space<vmem>>, vector<16xf32>,
        tpu.vector_store %arg7[%swap3A_126], %gather3A_119 {strides = array<i32>} : memref<8192xf32, #tpu.memory_space<vmem>>, vector<16xf32>,
        %add3A_128 = arith.constant 80 : i32
        %add3A_129 = arith.addi %add3A_65, %add3A_128 : i32
        %get3A_130 = arith.index_cast %add3A_129 : i32 to index
        %get3A_131 = tpu.vector_load %arg6[%get3A_130] {strides = array<i32>} : memref<16384xi32, #tpu.memory_space<vmem>>, vector<16xi32>,
        %gather3A_132 = tpu.vector_load_idx %arg5[%get3A_131] : memref<100096xf32, #tpu.memory_space<vmem>>[vector<16xi32>], vector<16xf32>,
        %mul3A_133 = arith.constant 128 : i32
        %mul3A_134 = arith.muli %scan3A_60, %mul3A_133 : i32
        %add3A_135 = arith.constant 4096 : i32
        %add3A_136 = arith.addi %add3A_135, %mul3A_134 : i32
        %add3A_137 = arith.constant 80 : i32
        %add3A_138 = arith.addi %add3A_136, %add3A_137 : i32
        %swap3A_139 = arith.index_cast %add3A_138 : i32 to index
        %swap3A_140 = tpu.vector_load %arg7[%swap3A_139] {strides = array<i32>} : memref<8192xf32, #tpu.memory_space<vmem>>, vector<16xf32>,
        tpu.vector_store %arg7[%swap3A_139], %gather3A_132 {strides = array<i32>} : memref<8192xf32, #tpu.memory_space<vmem>>, vector<16xf32>,
        %add3A_141 = arith.constant 96 : i32
        %add3A_142 = arith.addi %add3A_65, %add3A_141 : i32
        %get3A_143 = arith.index_cast %add3A_142 : i32 to index
        %get3A_144 = tpu.vector_load %arg6[%get3A_143] {strides = array<i32>} : memref<16384xi32, #tpu.memory_space<vmem>>, vector<16xi32>,
        %gather3A_145 = tpu.vector_load_idx %arg5[%get3A_144] : memref<100096xf32, #tpu.memory_space<vmem>>[vector<16xi32>], vector<16xf32>,
        %mul3A_146 = arith.constant 128 : i32
        %mul3A_147 = arith.muli %scan3A_60, %mul3A_146 : i32
        %add3A_148 = arith.constant 4096 : i32
        %add3A_149 = arith.addi %add3A_148, %mul3A_147 : i32
        %add3A_150 = arith.constant 96 : i32
        %add3A_151 = arith.addi %add3A_149, %add3A_150 : i32
        %swap3A_152 = arith.index_cast %add3A_151 : i32 to index
        %swap3A_153 = tpu.vector_load %arg7[%swap3A_152] {strides = array<i32>} : memref<8192xf32, #tpu.memory_space<vmem>>, vector<16xf32>,
        tpu.vector_store %arg7[%swap3A_152], %gather3A_145 {strides = array<i32>} : memref<8192xf32, #tpu.memory_space<vmem>>, vector<16xf32>,
        %add3A_154 = arith.constant 112 : i32
        %add3A_155 = arith.addi %add3A_65, %add3A_154 : i32
        %get3A_156 = arith.index_cast %add3A_155 : i32 to index
        %get3A_157 = tpu.vector_load %arg6[%get3A_156] {strides = array<i32>} : memref<16384xi32, #tpu.memory_space<vmem>>, vector<16xi32>,
        %gather3A_158 = tpu.vector_load_idx %arg5[%get3A_157] : memref<100096xf32, #tpu.memory_space<vmem>>[vector<16xi32>], vector<16xf32>,
        %mul3A_159 = arith.constant 128 : i32
        %mul3A_160 = arith.muli %scan3A_60, %mul3A_159 : i32
        %add3A_161 = arith.constant 4096 : i32
        %add3A_162 = arith.addi %add3A_161, %mul3A_160 : i32
        %add3A_163 = arith.constant 112 : i32
        %add3A_164 = arith.addi %add3A_162, %add3A_163 : i32
        %swap3A_165 = arith.index_cast %add3A_164 : i32 to index
        %swap3A_166 = tpu.vector_load %arg7[%swap3A_165] {strides = array<i32>} : memref<8192xf32, #tpu.memory_space<vmem>>, vector<16xf32>,
        tpu.vector_store %arg7[%swap3A_165], %gather3A_158 {strides = array<i32>} : memref<8192xf32, #tpu.memory_space<vmem>>, vector<16xf32>,
        %scan3A_167 = arith.constant 0 : i32
        scf.yield %scan3A_167 : i32
      }
      %scan3A_58 = arith.constant 32 : i32
      %add3A_59 = arith.addi %add3A_4, %while3A_18 : i32
      "tpu.region"() ({
        %run_scoped3A = tpu.sem_alloc : memref<!tpu.dma_semaphore, #tpu.memory_space<semaphore_mem>>
        %dma_start3A = arith.constant 4096 : i32
        %dma_start3A_60 = tpu.memref_slice %arg7[%dma_start3A] : memref<8192xf32, #tpu.memory_space<vmem>> -> memref<4096xf32, #tpu.memory_space<vmem>>
        %dma_start3A_61 = arith.constant 12288 : i32
        %dma_start3A_62 = tpu.memref_slice %arg4[%add3A_59, %dma_start3A_61] : memref<1304x16384xf32, #tpu.memory_space<hbm>> -> memref<1x4096xf32, #tpu.memory_space<hbm>>
        %dma_start3A_63 = tpu.memref_squeeze %dma_start3A_62 : memref<1x4096xf32, #tpu.memory_space<hbm>> -> memref<4096xf32, #tpu.memory_space<hbm>>
        %dma_start3A_64 = arith.constant 12288 : i32
        %dma_start3A_65 = tpu.memref_slice %arg4[%add3A_59, %dma_start3A_64] : memref<1304x16384xf32, #tpu.memory_space<hbm>> -> memref<1x4096xf32, #tpu.memory_space<hbm>>
        %dma_start3A_66 = tpu.memref_squeeze %dma_start3A_65 : memref<1x4096xf32, #tpu.memory_space<hbm>> -> memref<4096xf32, #tpu.memory_space<hbm>>
        %dma_start3A_67 = arith.constant 4096 : i32
        %dma_start3A_68 = tpu.memref_slice %arg7[%dma_start3A_67] : memref<8192xf32, #tpu.memory_space<vmem>> -> memref<4096xf32, #tpu.memory_space<vmem>>
        tpu.enqueue_dma source(%dma_start3A_68 : memref<4096xf32, #tpu.memory_space<vmem>>) target(%dma_start3A_66 : memref<4096xf32, #tpu.memory_space<hbm>>) target_semaphore(%run_scoped3A : memref<!tpu.dma_semaphore, #tpu.memory_space<semaphore_mem>>)
        %dma_wait3A = arith.constant 4096 : i32
        %dma_wait3A_69 = tpu.memref_slice %arg7[%dma_wait3A] : memref<8192xf32, #tpu.memory_space<vmem>> -> memref<4096xf32, #tpu.memory_space<vmem>>
        %dma_wait3A_70 = arith.constant 12288 : i32
        %dma_wait3A_71 = tpu.memref_slice %arg4[%add3A_59, %dma_wait3A_70] : memref<1304x16384xf32, #tpu.memory_space<hbm>> -> memref<1x4096xf32, #tpu.memory_space<hbm>>
        %dma_wait3A_72 = tpu.memref_squeeze %dma_wait3A_71 : memref<1x4096xf32, #tpu.memory_space<hbm>> -> memref<4096xf32, #tpu.memory_space<hbm>>
        %dma_wait3A_73 = arith.constant 12288 : i32
        %dma_wait3A_74 = tpu.memref_slice %arg4[%add3A_59, %dma_wait3A_73] : memref<1304x16384xf32, #tpu.memory_space<hbm>> -> memref<1x4096xf32, #tpu.memory_space<hbm>>
        %dma_wait3A_75 = tpu.memref_squeeze %dma_wait3A_74 : memref<1x4096xf32, #tpu.memory_space<hbm>> -> memref<4096xf32, #tpu.memory_space<hbm>>
        %dma_wait3A_76 = arith.constant 4096 : i32
        %dma_wait3A_77 = tpu.memref_slice %arg7[%dma_wait3A_76] : memref<8192xf32, #tpu.memory_space<vmem>> -> memref<4096xf32, #tpu.memory_space<vmem>>
        tpu.wait_dma2 semaphore(%run_scoped3A : memref<!tpu.dma_semaphore, #tpu.memory_space<semaphore_mem>>) src(%dma_wait3A_77 : memref<4096xf32, #tpu.memory_space<vmem>>) dst(%dma_wait3A_75 : memref<4096xf32, #tpu.memory_space<hbm>>)
        tpu.yield
      }) : () -> ()
      scf.yield %min3A_27 : i32
    }
    %while3A_16 = arith.constant 1 : i32
    %while3A_17 = scf.for %while3A_18 = %while3A_13 to %while3A_9 step %while3A_16 iter_args(%while3A_19 = %while3A_15) -> (i32)  : i32 {
      %add3A_20 = arith.addi %add3A_4, %while3A_18 : i32
      %min3A_21 = arith.constant 1299 : i32
      %min3A_22 = arith.minsi %add3A_20, %min3A_21 : i32
      %mul3A_23 = arith.constant 1311 : i32
      %mul3A_24 = arith.muli %min3A_22, %mul3A_23 : i32
      %shift_right_arithmetic3A = arith.constant 16 : i32
      %shift_right_arithmetic3A_25 = arith.shrsi %mul3A_24, %shift_right_arithmetic3A : i32
      %min3A_26 = arith.constant 25 : i32
      %min3A_27 = arith.minsi %shift_right_arithmetic3A_25, %min3A_26 : i32
      %ne3A = arith.cmpi ne, %min3A_27, %while3A_19 : i32
      %convert_element_type3A = arith.extui %ne3A : i1 to i32
      %cond3A = arith.constant 0 : i32
      %cond3A_28 = arith.cmpi ne, %convert_element_type3A, %cond3A : i32
      scf.if %cond3A_28 {
        "tpu.region"() ({
          %run_scoped3A = tpu.sem_alloc : memref<!tpu.dma_semaphore, #tpu.memory_space<semaphore_mem>>
          %dma_start3A = arith.constant 0 : i32
          %dma_start3A_60 = tpu.memref_slice %arg3[%min3A_27, %dma_start3A] : memref<26x16384xi32, #tpu.memory_space<hbm>> -> memref<1x16384xi32, #tpu.memory_space<hbm>>
          %dma_start3A_61 = tpu.memref_squeeze %dma_start3A_60 : memref<1x16384xi32, #tpu.memory_space<hbm>> -> memref<16384xi32, #tpu.memory_space<hbm>>
          %dma_start3A_62 = arith.constant 0 : i32
          %dma_start3A_63 = tpu.memref_slice %arg3[%min3A_27, %dma_start3A_62] : memref<26x16384xi32, #tpu.memory_space<hbm>> -> memref<1x16384xi32, #tpu.memory_space<hbm>>
          %dma_start3A_64 = tpu.memref_squeeze %dma_start3A_63 : memref<1x16384xi32, #tpu.memory_space<hbm>> -> memref<16384xi32, #tpu.memory_space<hbm>>
          tpu.enqueue_dma source(%dma_start3A_64 : memref<16384xi32, #tpu.memory_space<hbm>>) target(%arg6 : memref<16384xi32, #tpu.memory_space<vmem>>) target_semaphore(%run_scoped3A : memref<!tpu.dma_semaphore, #tpu.memory_space<semaphore_mem>>)
          %dma_wait3A = arith.constant 0 : i32
          %dma_wait3A_65 = tpu.memref_slice %arg3[%min3A_27, %dma_wait3A] : memref<26x16384xi32, #tpu.memory_space<hbm>> -> memref<1x16384xi32, #tpu.memory_space<hbm>>
          %dma_wait3A_66 = tpu.memref_squeeze %dma_wait3A_65 : memref<1x16384xi32, #tpu.memory_space<hbm>> -> memref<16384xi32, #tpu.memory_space<hbm>>
          %dma_wait3A_67 = arith.constant 0 : i32
          %dma_wait3A_68 = tpu.memref_slice %arg3[%min3A_27, %dma_wait3A_67] : memref<26x16384xi32, #tpu.memory_space<hbm>> -> memref<1x16384xi32, #tpu.memory_space<hbm>>
          %dma_wait3A_69 = tpu.memref_squeeze %dma_wait3A_68 : memref<1x16384xi32, #tpu.memory_space<hbm>> -> memref<16384xi32, #tpu.memory_space<hbm>>
          tpu.wait_dma2 semaphore(%run_scoped3A : memref<!tpu.dma_semaphore, #tpu.memory_space<semaphore_mem>>) src(%dma_wait3A_69 : memref<16384xi32, #tpu.memory_space<hbm>>) dst(%arg6 : memref<16384xi32, #tpu.memory_space<vmem>>)
          tpu.yield
        }) : () -> ()
      } else {
      }
      "tpu.region"() ({
        %run_scoped3A = tpu.sem_alloc : memref<!tpu.dma_semaphore, #tpu.memory_space<semaphore_mem>>
        %dma_start3A = arith.constant 0 : i32
        %dma_start3A_60 = tpu.memref_slice %arg2[%min3A_22, %dma_start3A] : memref<1304x100096xf32, #tpu.memory_space<hbm>> -> memref<1x100096xf32, #tpu.memory_space<hbm>>
        %dma_start3A_61 = tpu.memref_squeeze %dma_start3A_60 : memref<1x100096xf32, #tpu.memory_space<hbm>> -> memref<100096xf32, #tpu.memory_space<hbm>>
        %dma_start3A_62 = arith.constant 0 : i32
        %dma_start3A_63 = tpu.memref_slice %arg2[%min3A_22, %dma_start3A_62] : memref<1304x100096xf32, #tpu.memory_space<hbm>> -> memref<1x100096xf32, #tpu.memory_space<hbm>>
        %dma_start3A_64 = tpu.memref_squeeze %dma_start3A_63 : memref<1x100096xf32, #tpu.memory_space<hbm>> -> memref<100096xf32, #tpu.memory_space<hbm>>
        tpu.enqueue_dma source(%dma_start3A_64 : memref<100096xf32, #tpu.memory_space<hbm>>) target(%arg5 : memref<100096xf32, #tpu.memory_space<vmem>>) target_semaphore(%run_scoped3A : memref<!tpu.dma_semaphore, #tpu.memory_space<semaphore_mem>>)
        %dma_wait3A = arith.constant 0 : i32
        %dma_wait3A_65 = tpu.memref_slice %arg2[%min3A_22, %dma_wait3A] : memref<1304x100096xf32, #tpu.memory_space<hbm>> -> memref<1x100096xf32, #tpu.memory_space<hbm>>
        %dma_wait3A_66 = tpu.memref_squeeze %dma_wait3A_65 : memref<1x100096xf32, #tpu.memory_space<hbm>> -> memref<100096xf32, #tpu.memory_space<hbm>>
        %dma_wait3A_67 = arith.constant 0 : i32
        %dma_wait3A_68 = tpu.memref_slice %arg2[%min3A_22, %dma_wait3A_67] : memref<1304x100096xf32, #tpu.memory_space<hbm>> -> memref<1x100096xf32, #tpu.memory_space<hbm>>
        %dma_wait3A_69 = tpu.memref_squeeze %dma_wait3A_68 : memref<1x100096xf32, #tpu.memory_space<hbm>> -> memref<100096xf32, #tpu.memory_space<hbm>>
        tpu.wait_dma2 semaphore(%run_scoped3A : memref<!tpu.dma_semaphore, #tpu.memory_space<semaphore_mem>>) src(%dma_wait3A_69 : memref<100096xf32, #tpu.memory_space<hbm>>) dst(%arg5 : memref<100096xf32, #tpu.memory_space<vmem>>)
        tpu.yield
      }) : () -> ()
      %scan3A = arith.constant 0 : i32
      %scan3A_29 = arith.constant 0 : i32
      %scan3A_30 = arith.constant 32 : i32
      %scan3A_31 = arith.addi %scan3A_29, %scan3A_30 : i32
      %scan3A_32 = arith.constant 1 : i32
      %scan3A_33 = scf.for %scan3A_60 = %scan3A_29 to %scan3A_31 step %scan3A_32 iter_args(%scan3A_61 = %scan3A) -> (i32)  : i32 {
        %mul3A_62 = arith.constant 128 : i32
        %mul3A_63 = arith.muli %scan3A_60, %mul3A_62 : i32
        %add3A_64 = arith.constant 0 : i32
        %add3A_65 = arith.addi %add3A_64, %mul3A_63 : i32
        %add3A_66 = arith.constant 0 : i32
        %add3A_67 = arith.addi %add3A_65, %add3A_66 : i32
        %get3A = arith.index_cast %add3A_67 : i32 to index
        %get3A_68 = tpu.vector_load %arg6[%get3A] {strides = array<i32>} : memref<16384xi32, #tpu.memory_space<vmem>>, vector<16xi32>,
        %gather3A = tpu.vector_load_idx %arg5[%get3A_68] : memref<100096xf32, #tpu.memory_space<vmem>>[vector<16xi32>], vector<16xf32>,
        %mul3A_69 = arith.constant 128 : i32
        %mul3A_70 = arith.muli %scan3A_60, %mul3A_69 : i32
        %add3A_71 = arith.constant 0 : i32
        %add3A_72 = arith.addi %add3A_71, %mul3A_70 : i32
        %add3A_73 = arith.constant 0 : i32
        %add3A_74 = arith.addi %add3A_72, %add3A_73 : i32
        %swap3A = arith.index_cast %add3A_74 : i32 to index
        %swap3A_75 = tpu.vector_load %arg7[%swap3A] {strides = array<i32>} : memref<8192xf32, #tpu.memory_space<vmem>>, vector<16xf32>,
        tpu.vector_store %arg7[%swap3A], %gather3A {strides = array<i32>} : memref<8192xf32, #tpu.memory_space<vmem>>, vector<16xf32>,
        %add3A_76 = arith.constant 16 : i32
        %add3A_77 = arith.addi %add3A_65, %add3A_76 : i32
        %get3A_78 = arith.index_cast %add3A_77 : i32 to index
        %get3A_79 = tpu.vector_load %arg6[%get3A_78] {strides = array<i32>} : memref<16384xi32, #tpu.memory_space<vmem>>, vector<16xi32>,
        %gather3A_80 = tpu.vector_load_idx %arg5[%get3A_79] : memref<100096xf32, #tpu.memory_space<vmem>>[vector<16xi32>], vector<16xf32>,
        %mul3A_81 = arith.constant 128 : i32
        %mul3A_82 = arith.muli %scan3A_60, %mul3A_81 : i32
        %add3A_83 = arith.constant 0 : i32
        %add3A_84 = arith.addi %add3A_83, %mul3A_82 : i32
        %add3A_85 = arith.constant 16 : i32
        %add3A_86 = arith.addi %add3A_84, %add3A_85 : i32
        %swap3A_87 = arith.index_cast %add3A_86 : i32 to index
        %swap3A_88 = tpu.vector_load %arg7[%swap3A_87] {strides = array<i32>} : memref<8192xf32, #tpu.memory_space<vmem>>, vector<16xf32>,
        tpu.vector_store %arg7[%swap3A_87], %gather3A_80 {strides = array<i32>} : memref<8192xf32, #tpu.memory_space<vmem>>, vector<16xf32>,
        %add3A_89 = arith.constant 32 : i32
        %add3A_90 = arith.addi %add3A_65, %add3A_89 : i32
        %get3A_91 = arith.index_cast %add3A_90 : i32 to index
        %get3A_92 = tpu.vector_load %arg6[%get3A_91] {strides = array<i32>} : memref<16384xi32, #tpu.memory_space<vmem>>, vector<16xi32>,
        %gather3A_93 = tpu.vector_load_idx %arg5[%get3A_92] : memref<100096xf32, #tpu.memory_space<vmem>>[vector<16xi32>], vector<16xf32>,
        %mul3A_94 = arith.constant 128 : i32
        %mul3A_95 = arith.muli %scan3A_60, %mul3A_94 : i32
        %add3A_96 = arith.constant 0 : i32
        %add3A_97 = arith.addi %add3A_96, %mul3A_95 : i32
        %add3A_98 = arith.constant 32 : i32
        %add3A_99 = arith.addi %add3A_97, %add3A_98 : i32
        %swap3A_100 = arith.index_cast %add3A_99 : i32 to index
        %swap3A_101 = tpu.vector_load %arg7[%swap3A_100] {strides = array<i32>} : memref<8192xf32, #tpu.memory_space<vmem>>, vector<16xf32>,
        tpu.vector_store %arg7[%swap3A_100], %gather3A_93 {strides = array<i32>} : memref<8192xf32, #tpu.memory_space<vmem>>, vector<16xf32>,
        %add3A_102 = arith.constant 48 : i32
        %add3A_103 = arith.addi %add3A_65, %add3A_102 : i32
        %get3A_104 = arith.index_cast %add3A_103 : i32 to index
        %get3A_105 = tpu.vector_load %arg6[%get3A_104] {strides = array<i32>} : memref<16384xi32, #tpu.memory_space<vmem>>, vector<16xi32>,
        %gather3A_106 = tpu.vector_load_idx %arg5[%get3A_105] : memref<100096xf32, #tpu.memory_space<vmem>>[vector<16xi32>], vector<16xf32>,
        %mul3A_107 = arith.constant 128 : i32
        %mul3A_108 = arith.muli %scan3A_60, %mul3A_107 : i32
        %add3A_109 = arith.constant 0 : i32
        %add3A_110 = arith.addi %add3A_109, %mul3A_108 : i32
        %add3A_111 = arith.constant 48 : i32
        %add3A_112 = arith.addi %add3A_110, %add3A_111 : i32
        %swap3A_113 = arith.index_cast %add3A_112 : i32 to index
        %swap3A_114 = tpu.vector_load %arg7[%swap3A_113] {strides = array<i32>} : memref<8192xf32, #tpu.memory_space<vmem>>, vector<16xf32>,
        tpu.vector_store %arg7[%swap3A_113], %gather3A_106 {strides = array<i32>} : memref<8192xf32, #tpu.memory_space<vmem>>, vector<16xf32>,
        %add3A_115 = arith.constant 64 : i32
        %add3A_116 = arith.addi %add3A_65, %add3A_115 : i32
        %get3A_117 = arith.index_cast %add3A_116 : i32 to index
        %get3A_118 = tpu.vector_load %arg6[%get3A_117] {strides = array<i32>} : memref<16384xi32, #tpu.memory_space<vmem>>, vector<16xi32>,
        %gather3A_119 = tpu.vector_load_idx %arg5[%get3A_118] : memref<100096xf32, #tpu.memory_space<vmem>>[vector<16xi32>], vector<16xf32>,
        %mul3A_120 = arith.constant 128 : i32
        %mul3A_121 = arith.muli %scan3A_60, %mul3A_120 : i32
        %add3A_122 = arith.constant 0 : i32
        %add3A_123 = arith.addi %add3A_122, %mul3A_121 : i32
        %add3A_124 = arith.constant 64 : i32
        %add3A_125 = arith.addi %add3A_123, %add3A_124 : i32
        %swap3A_126 = arith.index_cast %add3A_125 : i32 to index
        %swap3A_127 = tpu.vector_load %arg7[%swap3A_126] {strides = array<i32>} : memref<8192xf32, #tpu.memory_space<vmem>>, vector<16xf32>,
        tpu.vector_store %arg7[%swap3A_126], %gather3A_119 {strides = array<i32>} : memref<8192xf32, #tpu.memory_space<vmem>>, vector<16xf32>,
        %add3A_128 = arith.constant 80 : i32
        %add3A_129 = arith.addi %add3A_65, %add3A_128 : i32
        %get3A_130 = arith.index_cast %add3A_129 : i32 to index
        %get3A_131 = tpu.vector_load %arg6[%get3A_130] {strides = array<i32>} : memref<16384xi32, #tpu.memory_space<vmem>>, vector<16xi32>,
        %gather3A_132 = tpu.vector_load_idx %arg5[%get3A_131] : memref<100096xf32, #tpu.memory_space<vmem>>[vector<16xi32>], vector<16xf32>,
        %mul3A_133 = arith.constant 128 : i32
        %mul3A_134 = arith.muli %scan3A_60, %mul3A_133 : i32
        %add3A_135 = arith.constant 0 : i32
        %add3A_136 = arith.addi %add3A_135, %mul3A_134 : i32
        %add3A_137 = arith.constant 80 : i32
        %add3A_138 = arith.addi %add3A_136, %add3A_137 : i32
        %swap3A_139 = arith.index_cast %add3A_138 : i32 to index
        %swap3A_140 = tpu.vector_load %arg7[%swap3A_139] {strides = array<i32>} : memref<8192xf32, #tpu.memory_space<vmem>>, vector<16xf32>,
        tpu.vector_store %arg7[%swap3A_139], %gather3A_132 {strides = array<i32>} : memref<8192xf32, #tpu.memory_space<vmem>>, vector<16xf32>,
        %add3A_141 = arith.constant 96 : i32
        %add3A_142 = arith.addi %add3A_65, %add3A_141 : i32
        %get3A_143 = arith.index_cast %add3A_142 : i32 to index
        %get3A_144 = tpu.vector_load %arg6[%get3A_143] {strides = array<i32>} : memref<16384xi32, #tpu.memory_space<vmem>>, vector<16xi32>,
        %gather3A_145 = tpu.vector_load_idx %arg5[%get3A_144] : memref<100096xf32, #tpu.memory_space<vmem>>[vector<16xi32>], vector<16xf32>,
        %mul3A_146 = arith.constant 128 : i32
        %mul3A_147 = arith.muli %scan3A_60, %mul3A_146 : i32
        %add3A_148 = arith.constant 0 : i32
        %add3A_149 = arith.addi %add3A_148, %mul3A_147 : i32
        %add3A_150 = arith.constant 96 : i32
        %add3A_151 = arith.addi %add3A_149, %add3A_150 : i32
        %swap3A_152 = arith.index_cast %add3A_151 : i32 to index
        %swap3A_153 = tpu.vector_load %arg7[%swap3A_152] {strides = array<i32>} : memref<8192xf32, #tpu.memory_space<vmem>>, vector<16xf32>,
        tpu.vector_store %arg7[%swap3A_152], %gather3A_145 {strides = array<i32>} : memref<8192xf32, #tpu.memory_space<vmem>>, vector<16xf32>,
        %add3A_154 = arith.constant 112 : i32
        %add3A_155 = arith.addi %add3A_65, %add3A_154 : i32
        %get3A_156 = arith.index_cast %add3A_155 : i32 to index
        %get3A_157 = tpu.vector_load %arg6[%get3A_156] {strides = array<i32>} : memref<16384xi32, #tpu.memory_space<vmem>>, vector<16xi32>,
        %gather3A_158 = tpu.vector_load_idx %arg5[%get3A_157] : memref<100096xf32, #tpu.memory_space<vmem>>[vector<16xi32>], vector<16xf32>,
        %mul3A_159 = arith.constant 128 : i32
        %mul3A_160 = arith.muli %scan3A_60, %mul3A_159 : i32
        %add3A_161 = arith.constant 0 : i32
        %add3A_162 = arith.addi %add3A_161, %mul3A_160 : i32
        %add3A_163 = arith.constant 112 : i32
        %add3A_164 = arith.addi %add3A_162, %add3A_163 : i32
        %swap3A_165 = arith.index_cast %add3A_164 : i32 to index
        %swap3A_166 = tpu.vector_load %arg7[%swap3A_165] {strides = array<i32>} : memref<8192xf32, #tpu.memory_space<vmem>>, vector<16xf32>,
        tpu.vector_store %arg7[%swap3A_165], %gather3A_158 {strides = array<i32>} : memref<8192xf32, #tpu.memory_space<vmem>>, vector<16xf32>,
        %scan3A_167 = arith.constant 0 : i32
        scf.yield %scan3A_167 : i32
      }
      %scan3A_34 = arith.constant 32 : i32
      %add3A_35 = arith.addi %add3A_4, %while3A_18 : i32
      "tpu.region"() ({
        %run_scoped3A = tpu.sem_alloc : memref<!tpu.dma_semaphore, #tpu.memory_space<semaphore_mem>>
        %dma_start3A = arith.constant 0 : i32
        %dma_start3A_60 = tpu.memref_slice %arg7[%dma_start3A] : memref<8192xf32, #tpu.memory_space<vmem>> -> memref<4096xf32, #tpu.memory_space<vmem>>
        %dma_start3A_61 = arith.constant 0 : i32
        %dma_start3A_62 = tpu.memref_slice %arg4[%add3A_35, %dma_start3A_61] : memref<1304x16384xf32, #tpu.memory_space<hbm>> -> memref<1x4096xf32, #tpu.memory_space<hbm>>
        %dma_start3A_63 = tpu.memref_squeeze %dma_start3A_62 : memref<1x4096xf32, #tpu.memory_space<hbm>> -> memref<4096xf32, #tpu.memory_space<hbm>>
        %dma_start3A_64 = arith.constant 0 : i32
        %dma_start3A_65 = tpu.memref_slice %arg4[%add3A_35, %dma_start3A_64] : memref<1304x16384xf32, #tpu.memory_space<hbm>> -> memref<1x4096xf32, #tpu.memory_space<hbm>>
        %dma_start3A_66 = tpu.memref_squeeze %dma_start3A_65 : memref<1x4096xf32, #tpu.memory_space<hbm>> -> memref<4096xf32, #tpu.memory_space<hbm>>
        %dma_start3A_67 = arith.constant 0 : i32
        %dma_start3A_68 = tpu.memref_slice %arg7[%dma_start3A_67] : memref<8192xf32, #tpu.memory_space<vmem>> -> memref<4096xf32, #tpu.memory_space<vmem>>
        tpu.enqueue_dma source(%dma_start3A_68 : memref<4096xf32, #tpu.memory_space<vmem>>) target(%dma_start3A_66 : memref<4096xf32, #tpu.memory_space<hbm>>) target_semaphore(%run_scoped3A : memref<!tpu.dma_semaphore, #tpu.memory_space<semaphore_mem>>)
        %dma_wait3A = arith.constant 0 : i32
        %dma_wait3A_69 = tpu.memref_slice %arg7[%dma_wait3A] : memref<8192xf32, #tpu.memory_space<vmem>> -> memref<4096xf32, #tpu.memory_space<vmem>>
        %dma_wait3A_70 = arith.constant 0 : i32
        %dma_wait3A_71 = tpu.memref_slice %arg4[%add3A_35, %dma_wait3A_70] : memref<1304x16384xf32, #tpu.memory_space<hbm>> -> memref<1x4096xf32, #tpu.memory_space<hbm>>
        %dma_wait3A_72 = tpu.memref_squeeze %dma_wait3A_71 : memref<1x4096xf32, #tpu.memory_space<hbm>> -> memref<4096xf32, #tpu.memory_space<hbm>>
        %dma_wait3A_73 = arith.constant 0 : i32
        %dma_wait3A_74 = tpu.memref_slice %arg4[%add3A_35, %dma_wait3A_73] : memref<1304x16384xf32, #tpu.memory_space<hbm>> -> memref<1x4096xf32, #tpu.memory_space<hbm>>
        %dma_wait3A_75 = tpu.memref_squeeze %dma_wait3A_74 : memref<1x4096xf32, #tpu.memory_space<hbm>> -> memref<4096xf32, #tpu.memory_space<hbm>>
        %dma_wait3A_76 = arith.constant 0 : i32
        %dma_wait3A_77 = tpu.memref_slice %arg7[%dma_wait3A_76] : memref<8192xf32, #tpu.memory_space<vmem>> -> memref<4096xf32, #tpu.memory_space<vmem>>
        tpu.wait_dma2 semaphore(%run_scoped3A : memref<!tpu.dma_semaphore, #tpu.memory_space<semaphore_mem>>) src(%dma_wait3A_77 : memref<4096xf32, #tpu.memory_space<vmem>>) dst(%dma_wait3A_75 : memref<4096xf32, #tpu.memory_space<hbm>>)
        tpu.yield
      }) : () -> ()
      %scan3A_36 = arith.constant 0 : i32
      %scan3A_37 = arith.constant 0 : i32
      %scan3A_38 = arith.constant 32 : i32
      %scan3A_39 = arith.addi %scan3A_37, %scan3A_38 : i32
      %scan3A_40 = arith.constant 1 : i32
      %scan3A_41 = scf.for %scan3A_60 = %scan3A_37 to %scan3A_39 step %scan3A_40 iter_args(%scan3A_61 = %scan3A_36) -> (i32)  : i32 {
        %mul3A_62 = arith.constant 128 : i32
        %mul3A_63 = arith.muli %scan3A_60, %mul3A_62 : i32
        %add3A_64 = arith.constant 4096 : i32
        %add3A_65 = arith.addi %add3A_64, %mul3A_63 : i32
        %add3A_66 = arith.constant 0 : i32
        %add3A_67 = arith.addi %add3A_65, %add3A_66 : i32
        %get3A = arith.index_cast %add3A_67 : i32 to index
        %get3A_68 = tpu.vector_load %arg6[%get3A] {strides = array<i32>} : memref<16384xi32, #tpu.memory_space<vmem>>, vector<16xi32>,
        %gather3A = tpu.vector_load_idx %arg5[%get3A_68] : memref<100096xf32, #tpu.memory_space<vmem>>[vector<16xi32>], vector<16xf32>,
        %mul3A_69 = arith.constant 128 : i32
        %mul3A_70 = arith.muli %scan3A_60, %mul3A_69 : i32
        %add3A_71 = arith.constant 4096 : i32
        %add3A_72 = arith.addi %add3A_71, %mul3A_70 : i32
        %add3A_73 = arith.constant 0 : i32
        %add3A_74 = arith.addi %add3A_72, %add3A_73 : i32
        %swap3A = arith.index_cast %add3A_74 : i32 to index
        %swap3A_75 = tpu.vector_load %arg7[%swap3A] {strides = array<i32>} : memref<8192xf32, #tpu.memory_space<vmem>>, vector<16xf32>,
        tpu.vector_store %arg7[%swap3A], %gather3A {strides = array<i32>} : memref<8192xf32, #tpu.memory_space<vmem>>, vector<16xf32>,
        %add3A_76 = arith.constant 16 : i32
        %add3A_77 = arith.addi %add3A_65, %add3A_76 : i32
        %get3A_78 = arith.index_cast %add3A_77 : i32 to index
        %get3A_79 = tpu.vector_load %arg6[%get3A_78] {strides = array<i32>} : memref<16384xi32, #tpu.memory_space<vmem>>, vector<16xi32>,
        %gather3A_80 = tpu.vector_load_idx %arg5[%get3A_79] : memref<100096xf32, #tpu.memory_space<vmem>>[vector<16xi32>], vector<16xf32>,
        %mul3A_81 = arith.constant 128 : i32
        %mul3A_82 = arith.muli %scan3A_60, %mul3A_81 : i32
        %add3A_83 = arith.constant 4096 : i32
        %add3A_84 = arith.addi %add3A_83, %mul3A_82 : i32
        %add3A_85 = arith.constant 16 : i32
        %add3A_86 = arith.addi %add3A_84, %add3A_85 : i32
        %swap3A_87 = arith.index_cast %add3A_86 : i32 to index
        %swap3A_88 = tpu.vector_load %arg7[%swap3A_87] {strides = array<i32>} : memref<8192xf32, #tpu.memory_space<vmem>>, vector<16xf32>,
        tpu.vector_store %arg7[%swap3A_87], %gather3A_80 {strides = array<i32>} : memref<8192xf32, #tpu.memory_space<vmem>>, vector<16xf32>,
        %add3A_89 = arith.constant 32 : i32
        %add3A_90 = arith.addi %add3A_65, %add3A_89 : i32
        %get3A_91 = arith.index_cast %add3A_90 : i32 to index
        %get3A_92 = tpu.vector_load %arg6[%get3A_91] {strides = array<i32>} : memref<16384xi32, #tpu.memory_space<vmem>>, vector<16xi32>,
        %gather3A_93 = tpu.vector_load_idx %arg5[%get3A_92] : memref<100096xf32, #tpu.memory_space<vmem>>[vector<16xi32>], vector<16xf32>,
        %mul3A_94 = arith.constant 128 : i32
        %mul3A_95 = arith.muli %scan3A_60, %mul3A_94 : i32
        %add3A_96 = arith.constant 4096 : i32
        %add3A_97 = arith.addi %add3A_96, %mul3A_95 : i32
        %add3A_98 = arith.constant 32 : i32
        %add3A_99 = arith.addi %add3A_97, %add3A_98 : i32
        %swap3A_100 = arith.index_cast %add3A_99 : i32 to index
        %swap3A_101 = tpu.vector_load %arg7[%swap3A_100] {strides = array<i32>} : memref<8192xf32, #tpu.memory_space<vmem>>, vector<16xf32>,
        tpu.vector_store %arg7[%swap3A_100], %gather3A_93 {strides = array<i32>} : memref<8192xf32, #tpu.memory_space<vmem>>, vector<16xf32>,
        %add3A_102 = arith.constant 48 : i32
        %add3A_103 = arith.addi %add3A_65, %add3A_102 : i32
        %get3A_104 = arith.index_cast %add3A_103 : i32 to index
        %get3A_105 = tpu.vector_load %arg6[%get3A_104] {strides = array<i32>} : memref<16384xi32, #tpu.memory_space<vmem>>, vector<16xi32>,
        %gather3A_106 = tpu.vector_load_idx %arg5[%get3A_105] : memref<100096xf32, #tpu.memory_space<vmem>>[vector<16xi32>], vector<16xf32>,
        %mul3A_107 = arith.constant 128 : i32
        %mul3A_108 = arith.muli %scan3A_60, %mul3A_107 : i32
        %add3A_109 = arith.constant 4096 : i32
        %add3A_110 = arith.addi %add3A_109, %mul3A_108 : i32
        %add3A_111 = arith.constant 48 : i32
        %add3A_112 = arith.addi %add3A_110, %add3A_111 : i32
        %swap3A_113 = arith.index_cast %add3A_112 : i32 to index
        %swap3A_114 = tpu.vector_load %arg7[%swap3A_113] {strides = array<i32>} : memref<8192xf32, #tpu.memory_space<vmem>>, vector<16xf32>,
        tpu.vector_store %arg7[%swap3A_113], %gather3A_106 {strides = array<i32>} : memref<8192xf32, #tpu.memory_space<vmem>>, vector<16xf32>,
        %add3A_115 = arith.constant 64 : i32
        %add3A_116 = arith.addi %add3A_65, %add3A_115 : i32
        %get3A_117 = arith.index_cast %add3A_116 : i32 to index
        %get3A_118 = tpu.vector_load %arg6[%get3A_117] {strides = array<i32>} : memref<16384xi32, #tpu.memory_space<vmem>>, vector<16xi32>,
        %gather3A_119 = tpu.vector_load_idx %arg5[%get3A_118] : memref<100096xf32, #tpu.memory_space<vmem>>[vector<16xi32>], vector<16xf32>,
        %mul3A_120 = arith.constant 128 : i32
        %mul3A_121 = arith.muli %scan3A_60, %mul3A_120 : i32
        %add3A_122 = arith.constant 4096 : i32
        %add3A_123 = arith.addi %add3A_122, %mul3A_121 : i32
        %add3A_124 = arith.constant 64 : i32
        %add3A_125 = arith.addi %add3A_123, %add3A_124 : i32
        %swap3A_126 = arith.index_cast %add3A_125 : i32 to index
        %swap3A_127 = tpu.vector_load %arg7[%swap3A_126] {strides = array<i32>} : memref<8192xf32, #tpu.memory_space<vmem>>, vector<16xf32>,
        tpu.vector_store %arg7[%swap3A_126], %gather3A_119 {strides = array<i32>} : memref<8192xf32, #tpu.memory_space<vmem>>, vector<16xf32>,
        %add3A_128 = arith.constant 80 : i32
        %add3A_129 = arith.addi %add3A_65, %add3A_128 : i32
        %get3A_130 = arith.index_cast %add3A_129 : i32 to index
        %get3A_131 = tpu.vector_load %arg6[%get3A_130] {strides = array<i32>} : memref<16384xi32, #tpu.memory_space<vmem>>, vector<16xi32>,
        %gather3A_132 = tpu.vector_load_idx %arg5[%get3A_131] : memref<100096xf32, #tpu.memory_space<vmem>>[vector<16xi32>], vector<16xf32>,
        %mul3A_133 = arith.constant 128 : i32
        %mul3A_134 = arith.muli %scan3A_60, %mul3A_133 : i32
        %add3A_135 = arith.constant 4096 : i32
        %add3A_136 = arith.addi %add3A_135, %mul3A_134 : i32
        %add3A_137 = arith.constant 80 : i32
        %add3A_138 = arith.addi %add3A_136, %add3A_137 : i32
        %swap3A_139 = arith.index_cast %add3A_138 : i32 to index
        %swap3A_140 = tpu.vector_load %arg7[%swap3A_139] {strides = array<i32>} : memref<8192xf32, #tpu.memory_space<vmem>>, vector<16xf32>,
        tpu.vector_store %arg7[%swap3A_139], %gather3A_132 {strides = array<i32>} : memref<8192xf32, #tpu.memory_space<vmem>>, vector<16xf32>,
        %add3A_141 = arith.constant 96 : i32
        %add3A_142 = arith.addi %add3A_65, %add3A_141 : i32
        %get3A_143 = arith.index_cast %add3A_142 : i32 to index
        %get3A_144 = tpu.vector_load %arg6[%get3A_143] {strides = array<i32>} : memref<16384xi32, #tpu.memory_space<vmem>>, vector<16xi32>,
        %gather3A_145 = tpu.vector_load_idx %arg5[%get3A_144] : memref<100096xf32, #tpu.memory_space<vmem>>[vector<16xi32>], vector<16xf32>,
        %mul3A_146 = arith.constant 128 : i32
        %mul3A_147 = arith.muli %scan3A_60, %mul3A_146 : i32
        %add3A_148 = arith.constant 4096 : i32
        %add3A_149 = arith.addi %add3A_148, %mul3A_147 : i32
        %add3A_150 = arith.constant 96 : i32
        %add3A_151 = arith.addi %add3A_149, %add3A_150 : i32
        %swap3A_152 = arith.index_cast %add3A_151 : i32 to index
        %swap3A_153 = tpu.vector_load %arg7[%swap3A_152] {strides = array<i32>} : memref<8192xf32, #tpu.memory_space<vmem>>, vector<16xf32>,
        tpu.vector_store %arg7[%swap3A_152], %gather3A_145 {strides = array<i32>} : memref<8192xf32, #tpu.memory_space<vmem>>, vector<16xf32>,
        %add3A_154 = arith.constant 112 : i32
        %add3A_155 = arith.addi %add3A_65, %add3A_154 : i32
        %get3A_156 = arith.index_cast %add3A_155 : i32 to index
        %get3A_157 = tpu.vector_load %arg6[%get3A_156] {strides = array<i32>} : memref<16384xi32, #tpu.memory_space<vmem>>, vector<16xi32>,
        %gather3A_158 = tpu.vector_load_idx %arg5[%get3A_157] : memref<100096xf32, #tpu.memory_space<vmem>>[vector<16xi32>], vector<16xf32>,
        %mul3A_159 = arith.constant 128 : i32
        %mul3A_160 = arith.muli %scan3A_60, %mul3A_159 : i32
        %add3A_161 = arith.constant 4096 : i32
        %add3A_162 = arith.addi %add3A_161, %mul3A_160 : i32
        %add3A_163 = arith.constant 112 : i32
        %add3A_164 = arith.addi %add3A_162, %add3A_163 : i32
        %swap3A_165 = arith.index_cast %add3A_164 : i32 to index
        %swap3A_166 = tpu.vector_load %arg7[%swap3A_165] {strides = array<i32>} : memref<8192xf32, #tpu.memory_space<vmem>>, vector<16xf32>,
        tpu.vector_store %arg7[%swap3A_165], %gather3A_158 {strides = array<i32>} : memref<8192xf32, #tpu.memory_space<vmem>>, vector<16xf32>,
        %scan3A_167 = arith.constant 0 : i32
        scf.yield %scan3A_167 : i32
      }
      %scan3A_42 = arith.constant 32 : i32
      %add3A_43 = arith.addi %add3A_4, %while3A_18 : i32
      "tpu.region"() ({
        %run_scoped3A = tpu.sem_alloc : memref<!tpu.dma_semaphore, #tpu.memory_space<semaphore_mem>>
        %dma_start3A = arith.constant 4096 : i32
        %dma_start3A_60 = tpu.memref_slice %arg7[%dma_start3A] : memref<8192xf32, #tpu.memory_space<vmem>> -> memref<4096xf32, #tpu.memory_space<vmem>>
        %dma_start3A_61 = arith.constant 4096 : i32
        %dma_start3A_62 = tpu.memref_slice %arg4[%add3A_43, %dma_start3A_61] : memref<1304x16384xf32, #tpu.memory_space<hbm>> -> memref<1x4096xf32, #tpu.memory_space<hbm>>
        %dma_start3A_63 = tpu.memref_squeeze %dma_start3A_62 : memref<1x4096xf32, #tpu.memory_space<hbm>> -> memref<4096xf32, #tpu.memory_space<hbm>>
        %dma_start3A_64 = arith.constant 4096 : i32
        %dma_start3A_65 = tpu.memref_slice %arg4[%add3A_43, %dma_start3A_64] : memref<1304x16384xf32, #tpu.memory_space<hbm>> -> memref<1x4096xf32, #tpu.memory_space<hbm>>
        %dma_start3A_66 = tpu.memref_squeeze %dma_start3A_65 : memref<1x4096xf32, #tpu.memory_space<hbm>> -> memref<4096xf32, #tpu.memory_space<hbm>>
        %dma_start3A_67 = arith.constant 4096 : i32
        %dma_start3A_68 = tpu.memref_slice %arg7[%dma_start3A_67] : memref<8192xf32, #tpu.memory_space<vmem>> -> memref<4096xf32, #tpu.memory_space<vmem>>
        tpu.enqueue_dma source(%dma_start3A_68 : memref<4096xf32, #tpu.memory_space<vmem>>) target(%dma_start3A_66 : memref<4096xf32, #tpu.memory_space<hbm>>) target_semaphore(%run_scoped3A : memref<!tpu.dma_semaphore, #tpu.memory_space<semaphore_mem>>)
        %dma_wait3A = arith.constant 4096 : i32
        %dma_wait3A_69 = tpu.memref_slice %arg7[%dma_wait3A] : memref<8192xf32, #tpu.memory_space<vmem>> -> memref<4096xf32, #tpu.memory_space<vmem>>
        %dma_wait3A_70 = arith.constant 4096 : i32
        %dma_wait3A_71 = tpu.memref_slice %arg4[%add3A_43, %dma_wait3A_70] : memref<1304x16384xf32, #tpu.memory_space<hbm>> -> memref<1x4096xf32, #tpu.memory_space<hbm>>
        %dma_wait3A_72 = tpu.memref_squeeze %dma_wait3A_71 : memref<1x4096xf32, #tpu.memory_space<hbm>> -> memref<4096xf32, #tpu.memory_space<hbm>>
        %dma_wait3A_73 = arith.constant 4096 : i32
        %dma_wait3A_74 = tpu.memref_slice %arg4[%add3A_43, %dma_wait3A_73] : memref<1304x16384xf32, #tpu.memory_space<hbm>> -> memref<1x4096xf32, #tpu.memory_space<hbm>>
        %dma_wait3A_75 = tpu.memref_squeeze %dma_wait3A_74 : memref<1x4096xf32, #tpu.memory_space<hbm>> -> memref<4096xf32, #tpu.memory_space<hbm>>
        %dma_wait3A_76 = arith.constant 4096 : i32
        %dma_wait3A_77 = tpu.memref_slice %arg7[%dma_wait3A_76] : memref<8192xf32, #tpu.memory_space<vmem>> -> memref<4096xf32, #tpu.memory_space<vmem>>
        tpu.wait_dma2 semaphore(%run_scoped3A : memref<!tpu.dma_semaphore, #tpu.memory_space<semaphore_mem>>) src(%dma_wait3A_77 : memref<4096xf32, #tpu.memory_space<vmem>>) dst(%dma_wait3A_75 : memref<4096xf32, #tpu.memory_space<hbm>>)
        tpu.yield
      }) : () -> ()
      %scan3A_44 = arith.constant 0 : i32
      %scan3A_45 = arith.constant 0 : i32
      %scan3A_46 = arith.constant 32 : i32
      %scan3A_47 = arith.addi %scan3A_45, %scan3A_46 : i32
      %scan3A_48 = arith.constant 1 : i32
      %scan3A_49 = scf.for %scan3A_60 = %scan3A_45 to %scan3A_47 step %scan3A_48 iter_args(%scan3A_61 = %scan3A_44) -> (i32)  : i32 {
        %mul3A_62 = arith.constant 128 : i32
        %mul3A_63 = arith.muli %scan3A_60, %mul3A_62 : i32
        %add3A_64 = arith.constant 8192 : i32
        %add3A_65 = arith.addi %add3A_64, %mul3A_63 : i32
        %add3A_66 = arith.constant 0 : i32
        %add3A_67 = arith.addi %add3A_65, %add3A_66 : i32
        %get3A = arith.index_cast %add3A_67 : i32 to index
        %get3A_68 = tpu.vector_load %arg6[%get3A] {strides = array<i32>} : memref<16384xi32, #tpu.memory_space<vmem>>, vector<16xi32>,
        %gather3A = tpu.vector_load_idx %arg5[%get3A_68] : memref<100096xf32, #tpu.memory_space<vmem>>[vector<16xi32>], vector<16xf32>,
        %mul3A_69 = arith.constant 128 : i32
        %mul3A_70 = arith.muli %scan3A_60, %mul3A_69 : i32
        %add3A_71 = arith.constant 0 : i32
        %add3A_72 = arith.addi %add3A_71, %mul3A_70 : i32
        %add3A_73 = arith.constant 0 : i32
        %add3A_74 = arith.addi %add3A_72, %add3A_73 : i32
        %swap3A = arith.index_cast %add3A_74 : i32 to index
        %swap3A_75 = tpu.vector_load %arg7[%swap3A] {strides = array<i32>} : memref<8192xf32, #tpu.memory_space<vmem>>, vector<16xf32>,
        tpu.vector_store %arg7[%swap3A], %gather3A {strides = array<i32>} : memref<8192xf32, #tpu.memory_space<vmem>>, vector<16xf32>,
        %add3A_76 = arith.constant 16 : i32
        %add3A_77 = arith.addi %add3A_65, %add3A_76 : i32
        %get3A_78 = arith.index_cast %add3A_77 : i32 to index
        %get3A_79 = tpu.vector_load %arg6[%get3A_78] {strides = array<i32>} : memref<16384xi32, #tpu.memory_space<vmem>>, vector<16xi32>,
        %gather3A_80 = tpu.vector_load_idx %arg5[%get3A_79] : memref<100096xf32, #tpu.memory_space<vmem>>[vector<16xi32>], vector<16xf32>,
        %mul3A_81 = arith.constant 128 : i32
        %mul3A_82 = arith.muli %scan3A_60, %mul3A_81 : i32
        %add3A_83 = arith.constant 0 : i32
        %add3A_84 = arith.addi %add3A_83, %mul3A_82 : i32
        %add3A_85 = arith.constant 16 : i32
        %add3A_86 = arith.addi %add3A_84, %add3A_85 : i32
        %swap3A_87 = arith.index_cast %add3A_86 : i32 to index
        %swap3A_88 = tpu.vector_load %arg7[%swap3A_87] {strides = array<i32>} : memref<8192xf32, #tpu.memory_space<vmem>>, vector<16xf32>,
        tpu.vector_store %arg7[%swap3A_87], %gather3A_80 {strides = array<i32>} : memref<8192xf32, #tpu.memory_space<vmem>>, vector<16xf32>,
        %add3A_89 = arith.constant 32 : i32
        %add3A_90 = arith.addi %add3A_65, %add3A_89 : i32
        %get3A_91 = arith.index_cast %add3A_90 : i32 to index
        %get3A_92 = tpu.vector_load %arg6[%get3A_91] {strides = array<i32>} : memref<16384xi32, #tpu.memory_space<vmem>>, vector<16xi32>,
        %gather3A_93 = tpu.vector_load_idx %arg5[%get3A_92] : memref<100096xf32, #tpu.memory_space<vmem>>[vector<16xi32>], vector<16xf32>,
        %mul3A_94 = arith.constant 128 : i32
        %mul3A_95 = arith.muli %scan3A_60, %mul3A_94 : i32
        %add3A_96 = arith.constant 0 : i32
        %add3A_97 = arith.addi %add3A_96, %mul3A_95 : i32
        %add3A_98 = arith.constant 32 : i32
        %add3A_99 = arith.addi %add3A_97, %add3A_98 : i32
        %swap3A_100 = arith.index_cast %add3A_99 : i32 to index
        %swap3A_101 = tpu.vector_load %arg7[%swap3A_100] {strides = array<i32>} : memref<8192xf32, #tpu.memory_space<vmem>>, vector<16xf32>,
        tpu.vector_store %arg7[%swap3A_100], %gather3A_93 {strides = array<i32>} : memref<8192xf32, #tpu.memory_space<vmem>>, vector<16xf32>,
        %add3A_102 = arith.constant 48 : i32
        %add3A_103 = arith.addi %add3A_65, %add3A_102 : i32
        %get3A_104 = arith.index_cast %add3A_103 : i32 to index
        %get3A_105 = tpu.vector_load %arg6[%get3A_104] {strides = array<i32>} : memref<16384xi32, #tpu.memory_space<vmem>>, vector<16xi32>,
        %gather3A_106 = tpu.vector_load_idx %arg5[%get3A_105] : memref<100096xf32, #tpu.memory_space<vmem>>[vector<16xi32>], vector<16xf32>,
        %mul3A_107 = arith.constant 128 : i32
        %mul3A_108 = arith.muli %scan3A_60, %mul3A_107 : i32
        %add3A_109 = arith.constant 0 : i32
        %add3A_110 = arith.addi %add3A_109, %mul3A_108 : i32
        %add3A_111 = arith.constant 48 : i32
        %add3A_112 = arith.addi %add3A_110, %add3A_111 : i32
        %swap3A_113 = arith.index_cast %add3A_112 : i32 to index
        %swap3A_114 = tpu.vector_load %arg7[%swap3A_113] {strides = array<i32>} : memref<8192xf32, #tpu.memory_space<vmem>>, vector<16xf32>,
        tpu.vector_store %arg7[%swap3A_113], %gather3A_106 {strides = array<i32>} : memref<8192xf32, #tpu.memory_space<vmem>>, vector<16xf32>,
        %add3A_115 = arith.constant 64 : i32
        %add3A_116 = arith.addi %add3A_65, %add3A_115 : i32
        %get3A_117 = arith.index_cast %add3A_116 : i32 to index
        %get3A_118 = tpu.vector_load %arg6[%get3A_117] {strides = array<i32>} : memref<16384xi32, #tpu.memory_space<vmem>>, vector<16xi32>,
        %gather3A_119 = tpu.vector_load_idx %arg5[%get3A_118] : memref<100096xf32, #tpu.memory_space<vmem>>[vector<16xi32>], vector<16xf32>,
        %mul3A_120 = arith.constant 128 : i32
        %mul3A_121 = arith.muli %scan3A_60, %mul3A_120 : i32
        %add3A_122 = arith.constant 0 : i32
        %add3A_123 = arith.addi %add3A_122, %mul3A_121 : i32
        %add3A_124 = arith.constant 64 : i32
        %add3A_125 = arith.addi %add3A_123, %add3A_124 : i32
        %swap3A_126 = arith.index_cast %add3A_125 : i32 to index
        %swap3A_127 = tpu.vector_load %arg7[%swap3A_126] {strides = array<i32>} : memref<8192xf32, #tpu.memory_space<vmem>>, vector<16xf32>,
        tpu.vector_store %arg7[%swap3A_126], %gather3A_119 {strides = array<i32>} : memref<8192xf32, #tpu.memory_space<vmem>>, vector<16xf32>,
        %add3A_128 = arith.constant 80 : i32
        %add3A_129 = arith.addi %add3A_65, %add3A_128 : i32
        %get3A_130 = arith.index_cast %add3A_129 : i32 to index
        %get3A_131 = tpu.vector_load %arg6[%get3A_130] {strides = array<i32>} : memref<16384xi32, #tpu.memory_space<vmem>>, vector<16xi32>,
        %gather3A_132 = tpu.vector_load_idx %arg5[%get3A_131] : memref<100096xf32, #tpu.memory_space<vmem>>[vector<16xi32>], vector<16xf32>,
        %mul3A_133 = arith.constant 128 : i32
        %mul3A_134 = arith.muli %scan3A_60, %mul3A_133 : i32
        %add3A_135 = arith.constant 0 : i32
        %add3A_136 = arith.addi %add3A_135, %mul3A_134 : i32
        %add3A_137 = arith.constant 80 : i32
        %add3A_138 = arith.addi %add3A_136, %add3A_137 : i32
        %swap3A_139 = arith.index_cast %add3A_138 : i32 to index
        %swap3A_140 = tpu.vector_load %arg7[%swap3A_139] {strides = array<i32>} : memref<8192xf32, #tpu.memory_space<vmem>>, vector<16xf32>,
        tpu.vector_store %arg7[%swap3A_139], %gather3A_132 {strides = array<i32>} : memref<8192xf32, #tpu.memory_space<vmem>>, vector<16xf32>,
        %add3A_141 = arith.constant 96 : i32
        %add3A_142 = arith.addi %add3A_65, %add3A_141 : i32
        %get3A_143 = arith.index_cast %add3A_142 : i32 to index
        %get3A_144 = tpu.vector_load %arg6[%get3A_143] {strides = array<i32>} : memref<16384xi32, #tpu.memory_space<vmem>>, vector<16xi32>,
        %gather3A_145 = tpu.vector_load_idx %arg5[%get3A_144] : memref<100096xf32, #tpu.memory_space<vmem>>[vector<16xi32>], vector<16xf32>,
        %mul3A_146 = arith.constant 128 : i32
        %mul3A_147 = arith.muli %scan3A_60, %mul3A_146 : i32
        %add3A_148 = arith.constant 0 : i32
        %add3A_149 = arith.addi %add3A_148, %mul3A_147 : i32
        %add3A_150 = arith.constant 96 : i32
        %add3A_151 = arith.addi %add3A_149, %add3A_150 : i32
        %swap3A_152 = arith.index_cast %add3A_151 : i32 to index
        %swap3A_153 = tpu.vector_load %arg7[%swap3A_152] {strides = array<i32>} : memref<8192xf32, #tpu.memory_space<vmem>>, vector<16xf32>,
        tpu.vector_store %arg7[%swap3A_152], %gather3A_145 {strides = array<i32>} : memref<8192xf32, #tpu.memory_space<vmem>>, vector<16xf32>,
        %add3A_154 = arith.constant 112 : i32
        %add3A_155 = arith.addi %add3A_65, %add3A_154 : i32
        %get3A_156 = arith.index_cast %add3A_155 : i32 to index
        %get3A_157 = tpu.vector_load %arg6[%get3A_156] {strides = array<i32>} : memref<16384xi32, #tpu.memory_space<vmem>>, vector<16xi32>,
        %gather3A_158 = tpu.vector_load_idx %arg5[%get3A_157] : memref<100096xf32, #tpu.memory_space<vmem>>[vector<16xi32>], vector<16xf32>,
        %mul3A_159 = arith.constant 128 : i32
        %mul3A_160 = arith.muli %scan3A_60, %mul3A_159 : i32
        %add3A_161 = arith.constant 0 : i32
        %add3A_162 = arith.addi %add3A_161, %mul3A_160 : i32
        %add3A_163 = arith.constant 112 : i32
        %add3A_164 = arith.addi %add3A_162, %add3A_163 : i32
        %swap3A_165 = arith.index_cast %add3A_164 : i32 to index
        %swap3A_166 = tpu.vector_load %arg7[%swap3A_165] {strides = array<i32>} : memref<8192xf32, #tpu.memory_space<vmem>>, vector<16xf32>,
        tpu.vector_store %arg7[%swap3A_165], %gather3A_158 {strides = array<i32>} : memref<8192xf32, #tpu.memory_space<vmem>>, vector<16xf32>,
        %scan3A_167 = arith.constant 0 : i32
        scf.yield %scan3A_167 : i32
      }
      %scan3A_50 = arith.constant 32 : i32
      %add3A_51 = arith.addi %add3A_4, %while3A_18 : i32
      "tpu.region"() ({
        %run_scoped3A = tpu.sem_alloc : memref<!tpu.dma_semaphore, #tpu.memory_space<semaphore_mem>>
        %dma_start3A = arith.constant 0 : i32
        %dma_start3A_60 = tpu.memref_slice %arg7[%dma_start3A] : memref<8192xf32, #tpu.memory_space<vmem>> -> memref<4096xf32, #tpu.memory_space<vmem>>
        %dma_start3A_61 = arith.constant 8192 : i32
        %dma_start3A_62 = tpu.memref_slice %arg4[%add3A_51, %dma_start3A_61] : memref<1304x16384xf32, #tpu.memory_space<hbm>> -> memref<1x4096xf32, #tpu.memory_space<hbm>>
        %dma_start3A_63 = tpu.memref_squeeze %dma_start3A_62 : memref<1x4096xf32, #tpu.memory_space<hbm>> -> memref<4096xf32, #tpu.memory_space<hbm>>
        %dma_start3A_64 = arith.constant 8192 : i32
        %dma_start3A_65 = tpu.memref_slice %arg4[%add3A_51, %dma_start3A_64] : memref<1304x16384xf32, #tpu.memory_space<hbm>> -> memref<1x4096xf32, #tpu.memory_space<hbm>>
        %dma_start3A_66 = tpu.memref_squeeze %dma_start3A_65 : memref<1x4096xf32, #tpu.memory_space<hbm>> -> memref<4096xf32, #tpu.memory_space<hbm>>
        %dma_start3A_67 = arith.constant 0 : i32
        %dma_start3A_68 = tpu.memref_slice %arg7[%dma_start3A_67] : memref<8192xf32, #tpu.memory_space<vmem>> -> memref<4096xf32, #tpu.memory_space<vmem>>
        tpu.enqueue_dma source(%dma_start3A_68 : memref<4096xf32, #tpu.memory_space<vmem>>) target(%dma_start3A_66 : memref<4096xf32, #tpu.memory_space<hbm>>) target_semaphore(%run_scoped3A : memref<!tpu.dma_semaphore, #tpu.memory_space<semaphore_mem>>)
        %dma_wait3A = arith.constant 0 : i32
        %dma_wait3A_69 = tpu.memref_slice %arg7[%dma_wait3A] : memref<8192xf32, #tpu.memory_space<vmem>> -> memref<4096xf32, #tpu.memory_space<vmem>>
        %dma_wait3A_70 = arith.constant 8192 : i32
        %dma_wait3A_71 = tpu.memref_slice %arg4[%add3A_51, %dma_wait3A_70] : memref<1304x16384xf32, #tpu.memory_space<hbm>> -> memref<1x4096xf32, #tpu.memory_space<hbm>>
        %dma_wait3A_72 = tpu.memref_squeeze %dma_wait3A_71 : memref<1x4096xf32, #tpu.memory_space<hbm>> -> memref<4096xf32, #tpu.memory_space<hbm>>
        %dma_wait3A_73 = arith.constant 8192 : i32
        %dma_wait3A_74 = tpu.memref_slice %arg4[%add3A_51, %dma_wait3A_73] : memref<1304x16384xf32, #tpu.memory_space<hbm>> -> memref<1x4096xf32, #tpu.memory_space<hbm>>
        %dma_wait3A_75 = tpu.memref_squeeze %dma_wait3A_74 : memref<1x4096xf32, #tpu.memory_space<hbm>> -> memref<4096xf32, #tpu.memory_space<hbm>>
        %dma_wait3A_76 = arith.constant 0 : i32
        %dma_wait3A_77 = tpu.memref_slice %arg7[%dma_wait3A_76] : memref<8192xf32, #tpu.memory_space<vmem>> -> memref<4096xf32, #tpu.memory_space<vmem>>
        tpu.wait_dma2 semaphore(%run_scoped3A : memref<!tpu.dma_semaphore, #tpu.memory_space<semaphore_mem>>) src(%dma_wait3A_77 : memref<4096xf32, #tpu.memory_space<vmem>>) dst(%dma_wait3A_75 : memref<4096xf32, #tpu.memory_space<hbm>>)
        tpu.yield
      }) : () -> ()
      %scan3A_52 = arith.constant 0 : i32
      %scan3A_53 = arith.constant 0 : i32
      %scan3A_54 = arith.constant 32 : i32
      %scan3A_55 = arith.addi %scan3A_53, %scan3A_54 : i32
      %scan3A_56 = arith.constant 1 : i32
      %scan3A_57 = scf.for %scan3A_60 = %scan3A_53 to %scan3A_55 step %scan3A_56 iter_args(%scan3A_61 = %scan3A_52) -> (i32)  : i32 {
        %mul3A_62 = arith.constant 128 : i32
        %mul3A_63 = arith.muli %scan3A_60, %mul3A_62 : i32
        %add3A_64 = arith.constant 12288 : i32
        %add3A_65 = arith.addi %add3A_64, %mul3A_63 : i32
        %add3A_66 = arith.constant 0 : i32
        %add3A_67 = arith.addi %add3A_65, %add3A_66 : i32
        %get3A = arith.index_cast %add3A_67 : i32 to index
        %get3A_68 = tpu.vector_load %arg6[%get3A] {strides = array<i32>} : memref<16384xi32, #tpu.memory_space<vmem>>, vector<16xi32>,
        %gather3A = tpu.vector_load_idx %arg5[%get3A_68] : memref<100096xf32, #tpu.memory_space<vmem>>[vector<16xi32>], vector<16xf32>,
        %mul3A_69 = arith.constant 128 : i32
        %mul3A_70 = arith.muli %scan3A_60, %mul3A_69 : i32
        %add3A_71 = arith.constant 4096 : i32
        %add3A_72 = arith.addi %add3A_71, %mul3A_70 : i32
        %add3A_73 = arith.constant 0 : i32
        %add3A_74 = arith.addi %add3A_72, %add3A_73 : i32
        %swap3A = arith.index_cast %add3A_74 : i32 to index
        %swap3A_75 = tpu.vector_load %arg7[%swap3A] {strides = array<i32>} : memref<8192xf32, #tpu.memory_space<vmem>>, vector<16xf32>,
        tpu.vector_store %arg7[%swap3A], %gather3A {strides = array<i32>} : memref<8192xf32, #tpu.memory_space<vmem>>, vector<16xf32>,
        %add3A_76 = arith.constant 16 : i32
        %add3A_77 = arith.addi %add3A_65, %add3A_76 : i32
        %get3A_78 = arith.index_cast %add3A_77 : i32 to index
        %get3A_79 = tpu.vector_load %arg6[%get3A_78] {strides = array<i32>} : memref<16384xi32, #tpu.memory_space<vmem>>, vector<16xi32>,
        %gather3A_80 = tpu.vector_load_idx %arg5[%get3A_79] : memref<100096xf32, #tpu.memory_space<vmem>>[vector<16xi32>], vector<16xf32>,
        %mul3A_81 = arith.constant 128 : i32
        %mul3A_82 = arith.muli %scan3A_60, %mul3A_81 : i32
        %add3A_83 = arith.constant 4096 : i32
        %add3A_84 = arith.addi %add3A_83, %mul3A_82 : i32
        %add3A_85 = arith.constant 16 : i32
        %add3A_86 = arith.addi %add3A_84, %add3A_85 : i32
        %swap3A_87 = arith.index_cast %add3A_86 : i32 to index
        %swap3A_88 = tpu.vector_load %arg7[%swap3A_87] {strides = array<i32>} : memref<8192xf32, #tpu.memory_space<vmem>>, vector<16xf32>,
        tpu.vector_store %arg7[%swap3A_87], %gather3A_80 {strides = array<i32>} : memref<8192xf32, #tpu.memory_space<vmem>>, vector<16xf32>,
        %add3A_89 = arith.constant 32 : i32
        %add3A_90 = arith.addi %add3A_65, %add3A_89 : i32
        %get3A_91 = arith.index_cast %add3A_90 : i32 to index
        %get3A_92 = tpu.vector_load %arg6[%get3A_91] {strides = array<i32>} : memref<16384xi32, #tpu.memory_space<vmem>>, vector<16xi32>,
        %gather3A_93 = tpu.vector_load_idx %arg5[%get3A_92] : memref<100096xf32, #tpu.memory_space<vmem>>[vector<16xi32>], vector<16xf32>,
        %mul3A_94 = arith.constant 128 : i32
        %mul3A_95 = arith.muli %scan3A_60, %mul3A_94 : i32
        %add3A_96 = arith.constant 4096 : i32
        %add3A_97 = arith.addi %add3A_96, %mul3A_95 : i32
        %add3A_98 = arith.constant 32 : i32
        %add3A_99 = arith.addi %add3A_97, %add3A_98 : i32
        %swap3A_100 = arith.index_cast %add3A_99 : i32 to index
        %swap3A_101 = tpu.vector_load %arg7[%swap3A_100] {strides = array<i32>} : memref<8192xf32, #tpu.memory_space<vmem>>, vector<16xf32>,
        tpu.vector_store %arg7[%swap3A_100], %gather3A_93 {strides = array<i32>} : memref<8192xf32, #tpu.memory_space<vmem>>, vector<16xf32>,
        %add3A_102 = arith.constant 48 : i32
        %add3A_103 = arith.addi %add3A_65, %add3A_102 : i32
        %get3A_104 = arith.index_cast %add3A_103 : i32 to index
        %get3A_105 = tpu.vector_load %arg6[%get3A_104] {strides = array<i32>} : memref<16384xi32, #tpu.memory_space<vmem>>, vector<16xi32>,
        %gather3A_106 = tpu.vector_load_idx %arg5[%get3A_105] : memref<100096xf32, #tpu.memory_space<vmem>>[vector<16xi32>], vector<16xf32>,
        %mul3A_107 = arith.constant 128 : i32
        %mul3A_108 = arith.muli %scan3A_60, %mul3A_107 : i32
        %add3A_109 = arith.constant 4096 : i32
        %add3A_110 = arith.addi %add3A_109, %mul3A_108 : i32
        %add3A_111 = arith.constant 48 : i32
        %add3A_112 = arith.addi %add3A_110, %add3A_111 : i32
        %swap3A_113 = arith.index_cast %add3A_112 : i32 to index
        %swap3A_114 = tpu.vector_load %arg7[%swap3A_113] {strides = array<i32>} : memref<8192xf32, #tpu.memory_space<vmem>>, vector<16xf32>,
        tpu.vector_store %arg7[%swap3A_113], %gather3A_106 {strides = array<i32>} : memref<8192xf32, #tpu.memory_space<vmem>>, vector<16xf32>,
        %add3A_115 = arith.constant 64 : i32
        %add3A_116 = arith.addi %add3A_65, %add3A_115 : i32
        %get3A_117 = arith.index_cast %add3A_116 : i32 to index
        %get3A_118 = tpu.vector_load %arg6[%get3A_117] {strides = array<i32>} : memref<16384xi32, #tpu.memory_space<vmem>>, vector<16xi32>,
        %gather3A_119 = tpu.vector_load_idx %arg5[%get3A_118] : memref<100096xf32, #tpu.memory_space<vmem>>[vector<16xi32>], vector<16xf32>,
        %mul3A_120 = arith.constant 128 : i32
        %mul3A_121 = arith.muli %scan3A_60, %mul3A_120 : i32
        %add3A_122 = arith.constant 4096 : i32
        %add3A_123 = arith.addi %add3A_122, %mul3A_121 : i32
        %add3A_124 = arith.constant 64 : i32
        %add3A_125 = arith.addi %add3A_123, %add3A_124 : i32
        %swap3A_126 = arith.index_cast %add3A_125 : i32 to index
        %swap3A_127 = tpu.vector_load %arg7[%swap3A_126] {strides = array<i32>} : memref<8192xf32, #tpu.memory_space<vmem>>, vector<16xf32>,
        tpu.vector_store %arg7[%swap3A_126], %gather3A_119 {strides = array<i32>} : memref<8192xf32, #tpu.memory_space<vmem>>, vector<16xf32>,
        %add3A_128 = arith.constant 80 : i32
        %add3A_129 = arith.addi %add3A_65, %add3A_128 : i32
        %get3A_130 = arith.index_cast %add3A_129 : i32 to index
        %get3A_131 = tpu.vector_load %arg6[%get3A_130] {strides = array<i32>} : memref<16384xi32, #tpu.memory_space<vmem>>, vector<16xi32>,
        %gather3A_132 = tpu.vector_load_idx %arg5[%get3A_131] : memref<100096xf32, #tpu.memory_space<vmem>>[vector<16xi32>], vector<16xf32>,
        %mul3A_133 = arith.constant 128 : i32
        %mul3A_134 = arith.muli %scan3A_60, %mul3A_133 : i32
        %add3A_135 = arith.constant 4096 : i32
        %add3A_136 = arith.addi %add3A_135, %mul3A_134 : i32
        %add3A_137 = arith.constant 80 : i32
        %add3A_138 = arith.addi %add3A_136, %add3A_137 : i32
        %swap3A_139 = arith.index_cast %add3A_138 : i32 to index
        %swap3A_140 = tpu.vector_load %arg7[%swap3A_139] {strides = array<i32>} : memref<8192xf32, #tpu.memory_space<vmem>>, vector<16xf32>,
        tpu.vector_store %arg7[%swap3A_139], %gather3A_132 {strides = array<i32>} : memref<8192xf32, #tpu.memory_space<vmem>>, vector<16xf32>,
        %add3A_141 = arith.constant 96 : i32
        %add3A_142 = arith.addi %add3A_65, %add3A_141 : i32
        %get3A_143 = arith.index_cast %add3A_142 : i32 to index
        %get3A_144 = tpu.vector_load %arg6[%get3A_143] {strides = array<i32>} : memref<16384xi32, #tpu.memory_space<vmem>>, vector<16xi32>,
        %gather3A_145 = tpu.vector_load_idx %arg5[%get3A_144] : memref<100096xf32, #tpu.memory_space<vmem>>[vector<16xi32>], vector<16xf32>,
        %mul3A_146 = arith.constant 128 : i32
        %mul3A_147 = arith.muli %scan3A_60, %mul3A_146 : i32
        %add3A_148 = arith.constant 4096 : i32
        %add3A_149 = arith.addi %add3A_148, %mul3A_147 : i32
        %add3A_150 = arith.constant 96 : i32
        %add3A_151 = arith.addi %add3A_149, %add3A_150 : i32
        %swap3A_152 = arith.index_cast %add3A_151 : i32 to index
        %swap3A_153 = tpu.vector_load %arg7[%swap3A_152] {strides = array<i32>} : memref<8192xf32, #tpu.memory_space<vmem>>, vector<16xf32>,
        tpu.vector_store %arg7[%swap3A_152], %gather3A_145 {strides = array<i32>} : memref<8192xf32, #tpu.memory_space<vmem>>, vector<16xf32>,
        %add3A_154 = arith.constant 112 : i32
        %add3A_155 = arith.addi %add3A_65, %add3A_154 : i32
        %get3A_156 = arith.index_cast %add3A_155 : i32 to index
        %get3A_157 = tpu.vector_load %arg6[%get3A_156] {strides = array<i32>} : memref<16384xi32, #tpu.memory_space<vmem>>, vector<16xi32>,
        %gather3A_158 = tpu.vector_load_idx %arg5[%get3A_157] : memref<100096xf32, #tpu.memory_space<vmem>>[vector<16xi32>], vector<16xf32>,
        %mul3A_159 = arith.constant 128 : i32
        %mul3A_160 = arith.muli %scan3A_60, %mul3A_159 : i32
        %add3A_161 = arith.constant 4096 : i32
        %add3A_162 = arith.addi %add3A_161, %mul3A_160 : i32
        %add3A_163 = arith.constant 112 : i32
        %add3A_164 = arith.addi %add3A_162, %add3A_163 : i32
        %swap3A_165 = arith.index_cast %add3A_164 : i32 to index
        %swap3A_166 = tpu.vector_load %arg7[%swap3A_165] {strides = array<i32>} : memref<8192xf32, #tpu.memory_space<vmem>>, vector<16xf32>,
        tpu.vector_store %arg7[%swap3A_165], %gather3A_158 {strides = array<i32>} : memref<8192xf32, #tpu.memory_space<vmem>>, vector<16xf32>,
        %scan3A_167 = arith.constant 0 : i32
        scf.yield %scan3A_167 : i32
      }
      %scan3A_58 = arith.constant 32 : i32
      %add3A_59 = arith.addi %add3A_4, %while3A_18 : i32
      "tpu.region"() ({
        %run_scoped3A = tpu.sem_alloc : memref<!tpu.dma_semaphore, #tpu.memory_space<semaphore_mem>>
        %dma_start3A = arith.constant 4096 : i32
        %dma_start3A_60 = tpu.memref_slice %arg7[%dma_start3A] : memref<8192xf32, #tpu.memory_space<vmem>> -> memref<4096xf32, #tpu.memory_space<vmem>>
        %dma_start3A_61 = arith.constant 12288 : i32
        %dma_start3A_62 = tpu.memref_slice %arg4[%add3A_59, %dma_start3A_61] : memref<1304x16384xf32, #tpu.memory_space<hbm>> -> memref<1x4096xf32, #tpu.memory_space<hbm>>
        %dma_start3A_63 = tpu.memref_squeeze %dma_start3A_62 : memref<1x4096xf32, #tpu.memory_space<hbm>> -> memref<4096xf32, #tpu.memory_space<hbm>>
        %dma_start3A_64 = arith.constant 12288 : i32
        %dma_start3A_65 = tpu.memref_slice %arg4[%add3A_59, %dma_start3A_64] : memref<1304x16384xf32, #tpu.memory_space<hbm>> -> memref<1x4096xf32, #tpu.memory_space<hbm>>
        %dma_start3A_66 = tpu.memref_squeeze %dma_start3A_65 : memref<1x4096xf32, #tpu.memory_space<hbm>> -> memref<4096xf32, #tpu.memory_space<hbm>>
        %dma_start3A_67 = arith.constant 4096 : i32
        %dma_start3A_68 = tpu.memref_slice %arg7[%dma_start3A_67] : memref<8192xf32, #tpu.memory_space<vmem>> -> memref<4096xf32, #tpu.memory_space<vmem>>
        tpu.enqueue_dma source(%dma_start3A_68 : memref<4096xf32, #tpu.memory_space<vmem>>) target(%dma_start3A_66 : memref<4096xf32, #tpu.memory_space<hbm>>) target_semaphore(%run_scoped3A : memref<!tpu.dma_semaphore, #tpu.memory_space<semaphore_mem>>)
        %dma_wait3A = arith.constant 4096 : i32
        %dma_wait3A_69 = tpu.memref_slice %arg7[%dma_wait3A] : memref<8192xf32, #tpu.memory_space<vmem>> -> memref<4096xf32, #tpu.memory_space<vmem>>
        %dma_wait3A_70 = arith.constant 12288 : i32
        %dma_wait3A_71 = tpu.memref_slice %arg4[%add3A_59, %dma_wait3A_70] : memref<1304x16384xf32, #tpu.memory_space<hbm>> -> memref<1x4096xf32, #tpu.memory_space<hbm>>
        %dma_wait3A_72 = tpu.memref_squeeze %dma_wait3A_71 : memref<1x4096xf32, #tpu.memory_space<hbm>> -> memref<4096xf32, #tpu.memory_space<hbm>>
        %dma_wait3A_73 = arith.constant 12288 : i32
        %dma_wait3A_74 = tpu.memref_slice %arg4[%add3A_59, %dma_wait3A_73] : memref<1304x16384xf32, #tpu.memory_space<hbm>> -> memref<1x4096xf32, #tpu.memory_space<hbm>>
        %dma_wait3A_75 = tpu.memref_squeeze %dma_wait3A_74 : memref<1x4096xf32, #tpu.memory_space<hbm>> -> memref<4096xf32, #tpu.memory_space<hbm>>
        %dma_wait3A_76 = arith.constant 4096 : i32
        %dma_wait3A_77 = tpu.memref_slice %arg7[%dma_wait3A_76] : memref<8192xf32, #tpu.memory_space<vmem>> -> memref<4096xf32, #tpu.memory_space<vmem>>
        tpu.wait_dma2 semaphore(%run_scoped3A : memref<!tpu.dma_semaphore, #tpu.memory_space<semaphore_mem>>) src(%dma_wait3A_77 : memref<4096xf32, #tpu.memory_space<vmem>>) dst(%dma_wait3A_75 : memref<4096xf32, #tpu.memory_space<hbm>>)
        tpu.yield
      }) : () -> ()
      scf.yield %min3A_27 : i32
    }
    return
  }
}

module attributes {stable_mosaic.version = 14 : i64} {
  func.func @_repack_kernel(%arg0: i32, %arg1: i32, %arg2: memref<8x50x2944xf32, #tpu.memory_space<vmem>>, %arg3: memref<400x2944xf32, #tpu.memory_space<vmem>>) attributes {dimension_semantics = [#tpu.dimension_semantics<arbitrary>, #tpu.dimension_semantics<arbitrary>], iteration_bounds = array<i64: 4, 34>, scalar_prefetch = 0 : i64, scratch_operands = 0 : i64, tpu.core_type = #tpu.core_type<tc>, window_params = [{transform_indices = @transform_0, window_bounds = array<i64: 8, 50, 2944>}, {transform_indices = @transform_1, window_bounds = array<i64: 400, 2944>}]} {
    %get3A = arith.constant 0 : index
    %get3A_0 = arith.constant 0 : index
    %get3A_1 = arith.constant 0 : index
    %get3A_2 = vector.load %arg2[%get3A, %get3A_0, %get3A_1] : memref<8x50x2944xf32, #tpu.memory_space<vmem>>, vector<8x50x2944xf32>
    %reshape3A = vector.shape_cast %get3A_2 : vector<8x50x2944xf32> to vector<400x2944xf32>
    %swap3A = arith.constant 0 : index
    %swap3A_3 = arith.constant 0 : index
    %swap3A_4 = vector.load %arg3[%swap3A, %swap3A_3] : memref<400x2944xf32, #tpu.memory_space<vmem>>, vector<400x2944xf32>
    tpu.vector_store %arg3[%swap3A, %swap3A_3], %reshape3A {strides = array<i32>} : memref<400x2944xf32, #tpu.memory_space<vmem>>, vector<400x2944xf32>,
    return
  }
  func.func @transform_0(%arg0: i32, %arg1: i32) -> (i32, i32, i32) {
    %c0_i32 = arith.constant 0 : i32
    %c0_i32_0 = arith.constant 0 : i32
    return %arg0, %c0_i32, %arg1 : i32, i32, i32
  }
  func.func @transform_1(%arg0: i32, %arg1: i32) -> (i32, i32) {
    %c0_i32 = arith.constant 0 : i32
    return %arg0, %arg1 : i32, i32
  }
}

module attributes {stable_mosaic.version = 14 : i64} {
  func.func @_mlp_kernel(%arg0: i32, %arg1: i32, %arg2: memref<1304x512xf32, #tpu.memory_space<vmem>>, %arg3: memref<13x512xf32, #tpu.memory_space<vmem>>, %arg4: memref<512x1304xf32, #tpu.memory_space<vmem>>, %arg5: memref<512x13xf32, #tpu.memory_space<vmem>>, %arg6: memref<512x1xf32, #tpu.memory_space<vmem>>, %arg7: memref<512x1xf32, #tpu.memory_space<vmem>>, %arg8: memref<512x1xf32, #tpu.memory_space<vmem>>, %arg9: memref<256x512xf32, #tpu.memory_space<vmem>>, %arg10: memref<256x1xf32, #tpu.memory_space<vmem>>, %arg11: memref<256x1xf32, #tpu.memory_space<vmem>>, %arg12: memref<256x1xf32, #tpu.memory_space<vmem>>, %arg13: memref<256x1xf32, #tpu.memory_space<vmem>>, %arg14: memref<1x1xf32, #tpu.memory_space<vmem>>, %arg15: memref<1x512xf32, #tpu.memory_space<vmem>>, %arg16: memref<512x16384xf32, #tpu.memory_space<vmem>>, %arg17: memref<256x16384xf32, #tpu.memory_space<vmem>>, %arg18: memref<512x8xf32, #tpu.memory_space<vmem>>, %arg19: memref<256x8xf32, #tpu.memory_space<vmem>>) attributes {dimension_semantics = [#tpu.dimension_semantics<arbitrary>, #tpu.dimension_semantics<arbitrary>], iteration_bounds = array<i64: 3, 32>, scalar_prefetch = 0 : i64, scratch_operands = 4 : i64, tpu.core_type = #tpu.core_type<tc>, window_params = [{transform_indices = @transform_0, window_bounds = array<i64: 1304, 512>}, {transform_indices = @transform_1, window_bounds = array<i64: 13, 512>}, {pipeline_mode = #tpu.pipeline_mode<synchronous>, transform_indices = @transform_2, window_bounds = array<i64: 512, 1304>}, {pipeline_mode = #tpu.pipeline_mode<synchronous>, transform_indices = @transform_3, window_bounds = array<i64: 512, 13>}, {pipeline_mode = #tpu.pipeline_mode<synchronous>, transform_indices = @transform_4, window_bounds = array<i64: 512, 1>}, {pipeline_mode = #tpu.pipeline_mode<synchronous>, transform_indices = @transform_5, window_bounds = array<i64: 512, 1>}, {pipeline_mode = #tpu.pipeline_mode<synchronous>, transform_indices = @transform_6, window_bounds = array<i64: 512, 1>}, {pipeline_mode = #tpu.pipeline_mode<synchronous>, transform_indices = @transform_7, window_bounds = array<i64: 256, 512>}, {pipeline_mode = #tpu.pipeline_mode<synchronous>, transform_indices = @transform_8, window_bounds = array<i64: 256, 1>}, {pipeline_mode = #tpu.pipeline_mode<synchronous>, transform_indices = @transform_9, window_bounds = array<i64: 256, 1>}, {pipeline_mode = #tpu.pipeline_mode<synchronous>, transform_indices = @transform_10, window_bounds = array<i64: 256, 1>}, {pipeline_mode = #tpu.pipeline_mode<synchronous>, transform_indices = @transform_11, window_bounds = array<i64: 256, 1>}, {pipeline_mode = #tpu.pipeline_mode<synchronous>, transform_indices = @transform_12, window_bounds = array<i64: 1, 1>}, {transform_indices = @transform_13, window_bounds = array<i64: 1, 512>}]} {
    %eq3A = arith.constant 0 : i32
    %eq3A_0 = arith.cmpi eq, %arg0, %eq3A : i32
    %eq3A_1 = arith.constant 0 : i32
    %eq3A_2 = arith.cmpi eq, %arg1, %eq3A_1 : i32
    %and3A = arith.andi %eq3A_0, %eq3A_2 : i1
    %convert_element_type3A = arith.extui %and3A : i1 to i32
    %cond3A = arith.constant 0 : i32
    %cond3A_3 = arith.cmpi ne, %convert_element_type3A, %cond3A : i32
    scf.if %cond3A_3 {
      %broadcast_in_dim3A = arith.constant 0.000000e+00 : f32
      %broadcast_in_dim3A_35 = vector.broadcast %broadcast_in_dim3A : f32 to vector<512x8xf32>
      %swap3A = arith.constant 0 : index
      %swap3A_36 = arith.constant 0 : index
      %swap3A_37 = vector.load %arg18[%swap3A, %swap3A_36] : memref<512x8xf32, #tpu.memory_space<vmem>>, vector<512x8xf32>
      tpu.vector_store %arg18[%swap3A, %swap3A_36], %broadcast_in_dim3A_35 {strides = array<i32>} : memref<512x8xf32, #tpu.memory_space<vmem>>, vector<512x8xf32>,
      %broadcast_in_dim3A_38 = arith.constant 0.000000e+00 : f32
      %broadcast_in_dim3A_39 = vector.broadcast %broadcast_in_dim3A_38 : f32 to vector<256x8xf32>
      %swap3A_40 = arith.constant 0 : index
      %swap3A_41 = arith.constant 0 : index
      %swap3A_42 = vector.load %arg19[%swap3A_40, %swap3A_41] : memref<256x8xf32, #tpu.memory_space<vmem>>, vector<256x8xf32>
      tpu.vector_store %arg19[%swap3A_40, %swap3A_41], %broadcast_in_dim3A_39 {strides = array<i32>} : memref<256x8xf32, #tpu.memory_space<vmem>>, vector<256x8xf32>,
    } else {
    }
    %eq3A_4 = arith.constant 0 : i32
    %eq3A_5 = arith.cmpi eq, %arg0, %eq3A_4 : i32
    %convert_element_type3A_6 = arith.extui %eq3A_5 : i1 to i32
    %cond3A_7 = arith.constant 0 : i32
    %cond3A_8 = arith.cmpi ne, %convert_element_type3A_6, %cond3A_7 : i32
    scf.if %cond3A_8 {
      %get3A = arith.constant 0 : index
      %get3A_35 = arith.constant 0 : index
      %get3A_36 = vector.load %arg4[%get3A, %get3A_35] : memref<512x1304xf32, #tpu.memory_space<vmem>>, vector<512x1304xf32>
      %get3A_37 = arith.constant 0 : index
      %get3A_38 = arith.constant 0 : index
      %get3A_39 = vector.load %arg2[%get3A_37, %get3A_38] : memref<1304x512xf32, #tpu.memory_space<vmem>>, vector<1304x512xf32>
      %dot_general3A = arith.constant dense<0.000000e+00> : vector<512x512xf32>
      %dot_general3A_40 = tpu.matmul %get3A_36, %get3A_39, %dot_general3A {dimension_numbers = #tpu.dot_dimension_numbers<[1], [0], [0], [1], [0, 0, 1, 1], [], []>, transpose_lhs_hint = false} : vector<512x1304xf32>, vector<1304x512xf32>, vector<512x512xf32> -> vector<512x512xf32>
      %get3A_41 = arith.constant 0 : index
      %get3A_42 = arith.constant 0 : index
      %get3A_43 = vector.load %arg5[%get3A_41, %get3A_42] : memref<512x13xf32, #tpu.memory_space<vmem>>, vector<512x13xf32>
      %get3A_44 = arith.constant 0 : index
      %get3A_45 = arith.constant 0 : index
      %get3A_46 = vector.load %arg3[%get3A_44, %get3A_45] : memref<13x512xf32, #tpu.memory_space<vmem>>, vector<13x512xf32>
      %dot_general3A_47 = arith.constant dense<0.000000e+00> : vector<512x512xf32>
      %dot_general3A_48 = tpu.matmul %get3A_43, %get3A_46, %dot_general3A_47 {dimension_numbers = #tpu.dot_dimension_numbers<[1], [0], [0], [1], [0, 0, 1, 1], [], []>, transpose_lhs_hint = false} : vector<512x13xf32>, vector<13x512xf32>, vector<512x512xf32> -> vector<512x512xf32>
      %add3A = arith.addf %dot_general3A_40, %dot_general3A_48 : vector<512x512xf32>
      %get3A_49 = arith.constant 0 : index
      %get3A_50 = arith.constant 0 : index
      %get3A_51 = vector.load %arg6[%get3A_49, %get3A_50] : memref<512x1xf32, #tpu.memory_space<vmem>>, vector<512x1xf32>
      %add3A_52 = vector.broadcast %get3A_51 : vector<512x1xf32> to vector<512x512xf32>
      %add3A_53 = arith.addf %add3A, %add3A_52 : vector<512x512xf32>
      %mul3A = arith.constant 512 : i32
      %mul3A_54 = arith.muli %arg1, %mul3A : i32
      %swap3A = arith.constant 0 : index
      %swap3A_55 = arith.index_cast %mul3A_54 : i32 to index
      %swap3A_56 = vector.load %arg16[%swap3A, %swap3A_55] : memref<512x16384xf32, #tpu.memory_space<vmem>>, vector<512x512xf32>
      tpu.vector_store %arg16[%swap3A, %swap3A_55], %add3A_53 {strides = array<i32>} : memref<512x16384xf32, #tpu.memory_space<vmem>>, vector<512x512xf32>,
      %get3A_57 = arith.constant 0 : index
      %get3A_58 = arith.constant 0 : index
      %get3A_59 = vector.load %arg18[%get3A_57, %get3A_58] : memref<512x8xf32, #tpu.memory_space<vmem>>, vector<512x1xf32>
      %reduce_sum3A = arith.constant dense<0.000000e+00> : vector<512xf32>
      %reduce_sum3A_60 = vector.multi_reduction <add>, %add3A_53, %reduce_sum3A [1] : vector<512x512xf32> to vector<512xf32>
      %broadcast_in_dim3A = vector.shape_cast %reduce_sum3A_60 : vector<512xf32> to vector<512x1xf32>
      %add3A_61 = arith.addf %get3A_59, %broadcast_in_dim3A : vector<512x1xf32>
      %swap3A_62 = arith.constant 0 : index
      %swap3A_63 = arith.constant 0 : index
      %swap3A_64 = vector.load %arg18[%swap3A_62, %swap3A_63] : memref<512x8xf32, #tpu.memory_space<vmem>>, vector<512x1xf32>
      tpu.vector_store %arg18[%swap3A_62, %swap3A_63], %add3A_61 {strides = array<i32>} : memref<512x8xf32, #tpu.memory_space<vmem>>, vector<512x1xf32>,
      %get3A_65 = arith.constant 0 : index
      %get3A_66 = arith.constant 1 : index
      %get3A_67 = vector.load %arg18[%get3A_65, %get3A_66] : memref<512x8xf32, #tpu.memory_space<vmem>>, vector<512x1xf32>
      %mul3A_68 = arith.mulf %add3A_53, %add3A_53 : vector<512x512xf32>
      %reduce_sum3A_69 = arith.constant dense<0.000000e+00> : vector<512xf32>
      %reduce_sum3A_70 = vector.multi_reduction <add>, %mul3A_68, %reduce_sum3A_69 [1] : vector<512x512xf32> to vector<512xf32>
      %broadcast_in_dim3A_71 = vector.shape_cast %reduce_sum3A_70 : vector<512xf32> to vector<512x1xf32>
      %add3A_72 = arith.addf %get3A_67, %broadcast_in_dim3A_71 : vector<512x1xf32>
      %swap3A_73 = arith.constant 0 : index
      %swap3A_74 = arith.constant 1 : index
      %swap3A_75 = vector.load %arg18[%swap3A_73, %swap3A_74] : memref<512x8xf32, #tpu.memory_space<vmem>>, vector<512x1xf32>
      tpu.vector_store %arg18[%swap3A_73, %swap3A_74], %add3A_72 {strides = array<i32>} : memref<512x8xf32, #tpu.memory_space<vmem>>, vector<512x1xf32>,
    } else {
    }
    %eq3A_9 = arith.constant 1 : i32
    %eq3A_10 = arith.cmpi eq, %arg0, %eq3A_9 : i32
    %eq3A_11 = arith.constant 0 : i32
    %eq3A_12 = arith.cmpi eq, %arg1, %eq3A_11 : i32
    %and3A_13 = arith.andi %eq3A_10, %eq3A_12 : i1
    %convert_element_type3A_14 = arith.extui %and3A_13 : i1 to i32
    %cond3A_15 = arith.constant 0 : i32
    %cond3A_16 = arith.cmpi ne, %convert_element_type3A_14, %cond3A_15 : i32
    scf.if %cond3A_16 {
      %get3A = arith.constant 0 : index
      %get3A_35 = arith.constant 0 : index
      %get3A_36 = vector.load %arg18[%get3A, %get3A_35] : memref<512x8xf32, #tpu.memory_space<vmem>>, vector<512x1xf32>
      %mul3A = arith.constant 6.10351563E-5 : f32
      %mul3A_37 = vector.broadcast %mul3A : f32 to vector<512x1xf32>
      %mul3A_38 = arith.mulf %get3A_36, %mul3A_37 : vector<512x1xf32>
      %get3A_39 = arith.constant 0 : index
      %get3A_40 = arith.constant 1 : index
      %get3A_41 = vector.load %arg18[%get3A_39, %get3A_40] : memref<512x8xf32, #tpu.memory_space<vmem>>, vector<512x1xf32>
      %mul3A_42 = arith.constant 6.10351563E-5 : f32
      %mul3A_43 = vector.broadcast %mul3A_42 : f32 to vector<512x1xf32>
      %mul3A_44 = arith.mulf %get3A_41, %mul3A_43 : vector<512x1xf32>
      %mul3A_45 = arith.mulf %mul3A_38, %mul3A_38 : vector<512x1xf32>
      %sub3A = arith.subf %mul3A_44, %mul3A_45 : vector<512x1xf32>
      %get3A_46 = arith.constant 0 : index
      %get3A_47 = arith.constant 0 : index
      %get3A_48 = vector.load %arg7[%get3A_46, %get3A_47] : memref<512x1xf32, #tpu.memory_space<vmem>>, vector<512x1xf32>
      %add3A = arith.constant 9.99999974E-6 : f32
      %add3A_49 = vector.broadcast %add3A : f32 to vector<512x1xf32>
      %add3A_50 = arith.addf %sub3A, %add3A_49 : vector<512x1xf32>
      %rsqrt3A = math.rsqrt %add3A_50 : vector<512x1xf32>
      %mul3A_51 = arith.mulf %get3A_48, %rsqrt3A : vector<512x1xf32>
      %swap3A = arith.constant 0 : index
      %swap3A_52 = arith.constant 2 : index
      %swap3A_53 = vector.load %arg18[%swap3A, %swap3A_52] : memref<512x8xf32, #tpu.memory_space<vmem>>, vector<512x1xf32>
      tpu.vector_store %arg18[%swap3A, %swap3A_52], %mul3A_51 {strides = array<i32>} : memref<512x8xf32, #tpu.memory_space<vmem>>, vector<512x1xf32>,
      %get3A_54 = arith.constant 0 : index
      %get3A_55 = arith.constant 0 : index
      %get3A_56 = vector.load %arg8[%get3A_54, %get3A_55] : memref<512x1xf32, #tpu.memory_space<vmem>>, vector<512x1xf32>
      %mul3A_57 = arith.mulf %mul3A_38, %mul3A_51 : vector<512x1xf32>
      %sub3A_58 = arith.subf %get3A_56, %mul3A_57 : vector<512x1xf32>
      %swap3A_59 = arith.constant 0 : index
      %swap3A_60 = arith.constant 3 : index
      %swap3A_61 = vector.load %arg18[%swap3A_59, %swap3A_60] : memref<512x8xf32, #tpu.memory_space<vmem>>, vector<512x1xf32>
      tpu.vector_store %arg18[%swap3A_59, %swap3A_60], %sub3A_58 {strides = array<i32>} : memref<512x8xf32, #tpu.memory_space<vmem>>, vector<512x1xf32>,
    } else {
    }
    %eq3A_17 = arith.constant 1 : i32
    %eq3A_18 = arith.cmpi eq, %arg0, %eq3A_17 : i32
    %convert_element_type3A_19 = arith.extui %eq3A_18 : i1 to i32
    %cond3A_20 = arith.constant 0 : i32
    %cond3A_21 = arith.cmpi ne, %convert_element_type3A_19, %cond3A_20 : i32
    scf.if %cond3A_21 {
      %mul3A = arith.constant 512 : i32
      %mul3A_35 = arith.muli %arg1, %mul3A : i32
      %get3A = arith.constant 0 : index
      %get3A_36 = arith.index_cast %mul3A_35 : i32 to index
      %get3A_37 = vector.load %arg16[%get3A, %get3A_36] : memref<512x16384xf32, #tpu.memory_space<vmem>>, vector<512x512xf32>
      %get3A_38 = arith.constant 0 : index
      %get3A_39 = arith.constant 2 : index
      %get3A_40 = vector.load %arg18[%get3A_38, %get3A_39] : memref<512x8xf32, #tpu.memory_space<vmem>>, vector<512x1xf32>
      %mul3A_41 = vector.broadcast %get3A_40 : vector<512x1xf32> to vector<512x512xf32>
      %mul3A_42 = arith.mulf %get3A_37, %mul3A_41 : vector<512x512xf32>
      %get3A_43 = arith.constant 0 : index
      %get3A_44 = arith.constant 3 : index
      %get3A_45 = vector.load %arg18[%get3A_43, %get3A_44] : memref<512x8xf32, #tpu.memory_space<vmem>>, vector<512x1xf32>
      %add3A = vector.broadcast %get3A_45 : vector<512x1xf32> to vector<512x512xf32>
      %add3A_46 = arith.addf %mul3A_42, %add3A : vector<512x512xf32>
      %max3A = arith.constant 0.000000e+00 : f32
      %max3A_47 = vector.broadcast %max3A : f32 to vector<512x512xf32>
      %max3A_48 = arith.maximumf %add3A_46, %max3A_47 : vector<512x512xf32>
      %get3A_49 = arith.constant 0 : index
      %get3A_50 = arith.constant 0 : index
      %get3A_51 = vector.load %arg9[%get3A_49, %get3A_50] : memref<256x512xf32, #tpu.memory_space<vmem>>, vector<256x512xf32>
      %dot_general3A = arith.constant dense<0.000000e+00> : vector<256x512xf32>
      %dot_general3A_52 = tpu.matmul %get3A_51, %max3A_48, %dot_general3A {dimension_numbers = #tpu.dot_dimension_numbers<[1], [0], [0], [1], [0, 0, 1, 1], [], []>, transpose_lhs_hint = false} : vector<256x512xf32>, vector<512x512xf32>, vector<256x512xf32> -> vector<256x512xf32>
      %get3A_53 = arith.constant 0 : index
      %get3A_54 = arith.constant 0 : index
      %get3A_55 = vector.load %arg10[%get3A_53, %get3A_54] : memref<256x1xf32, #tpu.memory_space<vmem>>, vector<256x1xf32>
      %add3A_56 = vector.broadcast %get3A_55 : vector<256x1xf32> to vector<256x512xf32>
      %add3A_57 = arith.addf %dot_general3A_52, %add3A_56 : vector<256x512xf32>
      %mul3A_58 = arith.constant 512 : i32
      %mul3A_59 = arith.muli %arg1, %mul3A_58 : i32
      %swap3A = arith.constant 0 : index
      %swap3A_60 = arith.index_cast %mul3A_59 : i32 to index
      %swap3A_61 = vector.load %arg17[%swap3A, %swap3A_60] : memref<256x16384xf32, #tpu.memory_space<vmem>>, vector<256x512xf32>
      tpu.vector_store %arg17[%swap3A, %swap3A_60], %add3A_57 {strides = array<i32>} : memref<256x16384xf32, #tpu.memory_space<vmem>>, vector<256x512xf32>,
      %get3A_62 = arith.constant 0 : index
      %get3A_63 = arith.constant 0 : index
      %get3A_64 = vector.load %arg19[%get3A_62, %get3A_63] : memref<256x8xf32, #tpu.memory_space<vmem>>, vector<256x1xf32>
      %reduce_sum3A = arith.constant dense<0.000000e+00> : vector<256xf32>
      %reduce_sum3A_65 = vector.multi_reduction <add>, %add3A_57, %reduce_sum3A [1] : vector<256x512xf32> to vector<256xf32>
      %broadcast_in_dim3A = vector.shape_cast %reduce_sum3A_65 : vector<256xf32> to vector<256x1xf32>
      %add3A_66 = arith.addf %get3A_64, %broadcast_in_dim3A : vector<256x1xf32>
      %swap3A_67 = arith.constant 0 : index
      %swap3A_68 = arith.constant 0 : index
      %swap3A_69 = vector.load %arg19[%swap3A_67, %swap3A_68] : memref<256x8xf32, #tpu.memory_space<vmem>>, vector<256x1xf32>
      tpu.vector_store %arg19[%swap3A_67, %swap3A_68], %add3A_66 {strides = array<i32>} : memref<256x8xf32, #tpu.memory_space<vmem>>, vector<256x1xf32>,
      %get3A_70 = arith.constant 0 : index
      %get3A_71 = arith.constant 1 : index
      %get3A_72 = vector.load %arg19[%get3A_70, %get3A_71] : memref<256x8xf32, #tpu.memory_space<vmem>>, vector<256x1xf32>
      %mul3A_73 = arith.mulf %add3A_57, %add3A_57 : vector<256x512xf32>
      %reduce_sum3A_74 = arith.constant dense<0.000000e+00> : vector<256xf32>
      %reduce_sum3A_75 = vector.multi_reduction <add>, %mul3A_73, %reduce_sum3A_74 [1] : vector<256x512xf32> to vector<256xf32>
      %broadcast_in_dim3A_76 = vector.shape_cast %reduce_sum3A_75 : vector<256xf32> to vector<256x1xf32>
      %add3A_77 = arith.addf %get3A_72, %broadcast_in_dim3A_76 : vector<256x1xf32>
      %swap3A_78 = arith.constant 0 : index
      %swap3A_79 = arith.constant 1 : index
      %swap3A_80 = vector.load %arg19[%swap3A_78, %swap3A_79] : memref<256x8xf32, #tpu.memory_space<vmem>>, vector<256x1xf32>
      tpu.vector_store %arg19[%swap3A_78, %swap3A_79], %add3A_77 {strides = array<i32>} : memref<256x8xf32, #tpu.memory_space<vmem>>, vector<256x1xf32>,
    } else {
    }
    %eq3A_22 = arith.constant 2 : i32
    %eq3A_23 = arith.cmpi eq, %arg0, %eq3A_22 : i32
    %eq3A_24 = arith.constant 0 : i32
    %eq3A_25 = arith.cmpi eq, %arg1, %eq3A_24 : i32
    %and3A_26 = arith.andi %eq3A_23, %eq3A_25 : i1
    %convert_element_type3A_27 = arith.extui %and3A_26 : i1 to i32
    %cond3A_28 = arith.constant 0 : i32
    %cond3A_29 = arith.cmpi ne, %convert_element_type3A_27, %cond3A_28 : i32
    scf.if %cond3A_29 {
      %get3A = arith.constant 0 : index
      %get3A_35 = arith.constant 0 : index
      %get3A_36 = vector.load %arg19[%get3A, %get3A_35] : memref<256x8xf32, #tpu.memory_space<vmem>>, vector<256x1xf32>
      %mul3A = arith.constant 6.10351563E-5 : f32
      %mul3A_37 = vector.broadcast %mul3A : f32 to vector<256x1xf32>
      %mul3A_38 = arith.mulf %get3A_36, %mul3A_37 : vector<256x1xf32>
      %get3A_39 = arith.constant 0 : index
      %get3A_40 = arith.constant 1 : index
      %get3A_41 = vector.load %arg19[%get3A_39, %get3A_40] : memref<256x8xf32, #tpu.memory_space<vmem>>, vector<256x1xf32>
      %mul3A_42 = arith.constant 6.10351563E-5 : f32
      %mul3A_43 = vector.broadcast %mul3A_42 : f32 to vector<256x1xf32>
      %mul3A_44 = arith.mulf %get3A_41, %mul3A_43 : vector<256x1xf32>
      %mul3A_45 = arith.mulf %mul3A_38, %mul3A_38 : vector<256x1xf32>
      %sub3A = arith.subf %mul3A_44, %mul3A_45 : vector<256x1xf32>
      %get3A_46 = arith.constant 0 : index
      %get3A_47 = arith.constant 0 : index
      %get3A_48 = vector.load %arg11[%get3A_46, %get3A_47] : memref<256x1xf32, #tpu.memory_space<vmem>>, vector<256x1xf32>
      %add3A = arith.constant 9.99999974E-6 : f32
      %add3A_49 = vector.broadcast %add3A : f32 to vector<256x1xf32>
      %add3A_50 = arith.addf %sub3A, %add3A_49 : vector<256x1xf32>
      %rsqrt3A = math.rsqrt %add3A_50 : vector<256x1xf32>
      %mul3A_51 = arith.mulf %get3A_48, %rsqrt3A : vector<256x1xf32>
      %swap3A = arith.constant 0 : index
      %swap3A_52 = arith.constant 2 : index
      %swap3A_53 = vector.load %arg19[%swap3A, %swap3A_52] : memref<256x8xf32, #tpu.memory_space<vmem>>, vector<256x1xf32>
      tpu.vector_store %arg19[%swap3A, %swap3A_52], %mul3A_51 {strides = array<i32>} : memref<256x8xf32, #tpu.memory_space<vmem>>, vector<256x1xf32>,
      %get3A_54 = arith.constant 0 : index
      %get3A_55 = arith.constant 0 : index
      %get3A_56 = vector.load %arg12[%get3A_54, %get3A_55] : memref<256x1xf32, #tpu.memory_space<vmem>>, vector<256x1xf32>
      %mul3A_57 = arith.mulf %mul3A_38, %mul3A_51 : vector<256x1xf32>
      %sub3A_58 = arith.subf %get3A_56, %mul3A_57 : vector<256x1xf32>
      %swap3A_59 = arith.constant 0 : index
      %swap3A_60 = arith.constant 3 : index
      %swap3A_61 = vector.load %arg19[%swap3A_59, %swap3A_60] : memref<256x8xf32, #tpu.memory_space<vmem>>, vector<256x1xf32>
      tpu.vector_store %arg19[%swap3A_59, %swap3A_60], %sub3A_58 {strides = array<i32>} : memref<256x8xf32, #tpu.memory_space<vmem>>, vector<256x1xf32>,
    } else {
    }
    %eq3A_30 = arith.constant 2 : i32
    %eq3A_31 = arith.cmpi eq, %arg0, %eq3A_30 : i32
    %convert_element_type3A_32 = arith.extui %eq3A_31 : i1 to i32
    %cond3A_33 = arith.constant 0 : i32
    %cond3A_34 = arith.cmpi ne, %convert_element_type3A_32, %cond3A_33 : i32
    scf.if %cond3A_34 {
      %mul3A = arith.constant 512 : i32
      %mul3A_35 = arith.muli %arg1, %mul3A : i32
      %get3A = arith.constant 0 : index
      %get3A_36 = arith.index_cast %mul3A_35 : i32 to index
      %get3A_37 = vector.load %arg17[%get3A, %get3A_36] : memref<256x16384xf32, #tpu.memory_space<vmem>>, vector<256x512xf32>
      %get3A_38 = arith.constant 0 : index
      %get3A_39 = arith.constant 2 : index
      %get3A_40 = vector.load %arg19[%get3A_38, %get3A_39] : memref<256x8xf32, #tpu.memory_space<vmem>>, vector<256x1xf32>
      %mul3A_41 = vector.broadcast %get3A_40 : vector<256x1xf32> to vector<256x512xf32>
      %mul3A_42 = arith.mulf %get3A_37, %mul3A_41 : vector<256x512xf32>
      %get3A_43 = arith.constant 0 : index
      %get3A_44 = arith.constant 3 : index
      %get3A_45 = vector.load %arg19[%get3A_43, %get3A_44] : memref<256x8xf32, #tpu.memory_space<vmem>>, vector<256x1xf32>
      %add3A = vector.broadcast %get3A_45 : vector<256x1xf32> to vector<256x512xf32>
      %add3A_46 = arith.addf %mul3A_42, %add3A : vector<256x512xf32>
      %max3A = arith.constant 0.000000e+00 : f32
      %max3A_47 = vector.broadcast %max3A : f32 to vector<256x512xf32>
      %max3A_48 = arith.maximumf %add3A_46, %max3A_47 : vector<256x512xf32>
      %get3A_49 = arith.constant 0 : index
      %get3A_50 = arith.constant 0 : index
      %get3A_51 = vector.load %arg13[%get3A_49, %get3A_50] : memref<256x1xf32, #tpu.memory_space<vmem>>, vector<256x1xf32>
      %mul3A_52 = vector.broadcast %get3A_51 : vector<256x1xf32> to vector<256x512xf32>
      %mul3A_53 = arith.mulf %max3A_48, %mul3A_52 : vector<256x512xf32>
      %reduce_sum3A = arith.constant dense<0.000000e+00> : vector<512xf32>
      %reduce_sum3A_54 = vector.multi_reduction <add>, %mul3A_53, %reduce_sum3A [0] : vector<256x512xf32> to vector<512xf32>
      %broadcast_in_dim3A = vector.shape_cast %reduce_sum3A_54 : vector<512xf32> to vector<1x512xf32>
      %get3A_55 = arith.constant 0 : index
      %get3A_56 = arith.constant 0 : index
      %get3A_57 = vector.load %arg14[%get3A_55, %get3A_56] : memref<1x1xf32, #tpu.memory_space<vmem>>, vector<1x1xf32>
      %add3A_58 = vector.broadcast %get3A_57 : vector<1x1xf32> to vector<1x512xf32>
      %add3A_59 = arith.addf %broadcast_in_dim3A, %add3A_58 : vector<1x512xf32>
      %swap3A = arith.constant 0 : index
      %swap3A_60 = arith.constant 0 : index
      %swap3A_61 = vector.load %arg15[%swap3A, %swap3A_60] : memref<1x512xf32, #tpu.memory_space<vmem>>, vector<1x512xf32>
      tpu.vector_store %arg15[%swap3A, %swap3A_60], %add3A_59 {strides = array<i32>} : memref<1x512xf32, #tpu.memory_space<vmem>>, vector<1x512xf32>,
    } else {
    }
    return
  }
  func.func @transform_0(%arg0: i32, %arg1: i32) -> (i32, i32) {
    %eq3A = arith.constant 0 : i32
    %eq3A_0 = arith.cmpi eq, %arg0, %eq3A : i32
    %jit3A = arith.constant 0 : i32
    %select_n3A = arith.select %eq3A_0, %arg1, %jit3A : i32
    %c0_i32 = arith.constant 0 : i32
    %c0_i32_1 = arith.constant 0 : i32
    return %c0_i32, %select_n3A : i32, i32
  }
  func.func @transform_1(%arg0: i32, %arg1: i32) -> (i32, i32) {
    %eq3A = arith.constant 0 : i32
    %eq3A_0 = arith.cmpi eq, %arg0, %eq3A : i32
    %jit3A = arith.constant 0 : i32
    %select_n3A = arith.select %eq3A_0, %arg1, %jit3A : i32
    %c0_i32 = arith.constant 0 : i32
    %c0_i32_1 = arith.constant 0 : i32
    return %c0_i32, %select_n3A : i32, i32
  }
  func.func @transform_2(%arg0: i32, %arg1: i32) -> (i32, i32) {
    %c0_i32 = arith.constant 0 : i32
    %c0_i32_0 = arith.constant 0 : i32
    %c0_i32_1 = arith.constant 0 : i32
    return %c0_i32, %c0_i32_0 : i32, i32
  }
  func.func @transform_3(%arg0: i32, %arg1: i32) -> (i32, i32) {
    %c0_i32 = arith.constant 0 : i32
    %c0_i32_0 = arith.constant 0 : i32
    %c0_i32_1 = arith.constant 0 : i32
    return %c0_i32, %c0_i32_0 : i32, i32
  }
  func.func @transform_4(%arg0: i32, %arg1: i32) -> (i32, i32) {
    %c0_i32 = arith.constant 0 : i32
    %c0_i32_0 = arith.constant 0 : i32
    %c0_i32_1 = arith.constant 0 : i32
    return %c0_i32, %c0_i32_0 : i32, i32
  }
  func.func @transform_5(%arg0: i32, %arg1: i32) -> (i32, i32) {
    %c0_i32 = arith.constant 0 : i32
    %c0_i32_0 = arith.constant 0 : i32
    %c0_i32_1 = arith.constant 0 : i32
    return %c0_i32, %c0_i32_0 : i32, i32
  }
  func.func @transform_6(%arg0: i32, %arg1: i32) -> (i32, i32) {
    %c0_i32 = arith.constant 0 : i32
    %c0_i32_0 = arith.constant 0 : i32
    %c0_i32_1 = arith.constant 0 : i32
    return %c0_i32, %c0_i32_0 : i32, i32
  }
  func.func @transform_7(%arg0: i32, %arg1: i32) -> (i32, i32) {
    %c0_i32 = arith.constant 0 : i32
    %c0_i32_0 = arith.constant 0 : i32
    %c0_i32_1 = arith.constant 0 : i32
    return %c0_i32, %c0_i32_0 : i32, i32
  }
  func.func @transform_8(%arg0: i32, %arg1: i32) -> (i32, i32) {
    %c0_i32 = arith.constant 0 : i32
    %c0_i32_0 = arith.constant 0 : i32
    %c0_i32_1 = arith.constant 0 : i32
    return %c0_i32, %c0_i32_0 : i32, i32
  }
  func.func @transform_9(%arg0: i32, %arg1: i32) -> (i32, i32) {
    %c0_i32 = arith.constant 0 : i32
    %c0_i32_0 = arith.constant 0 : i32
    %c0_i32_1 = arith.constant 0 : i32
    return %c0_i32, %c0_i32_0 : i32, i32
  }
  func.func @transform_10(%arg0: i32, %arg1: i32) -> (i32, i32) {
    %c0_i32 = arith.constant 0 : i32
    %c0_i32_0 = arith.constant 0 : i32
    %c0_i32_1 = arith.constant 0 : i32
    return %c0_i32, %c0_i32_0 : i32, i32
  }
  func.func @transform_11(%arg0: i32, %arg1: i32) -> (i32, i32) {
    %c0_i32 = arith.constant 0 : i32
    %c0_i32_0 = arith.constant 0 : i32
    %c0_i32_1 = arith.constant 0 : i32
    return %c0_i32, %c0_i32_0 : i32, i32
  }
  func.func @transform_12(%arg0: i32, %arg1: i32) -> (i32, i32) {
    %c0_i32 = arith.constant 0 : i32
    %c0_i32_0 = arith.constant 0 : i32
    %c0_i32_1 = arith.constant 0 : i32
    return %c0_i32, %c0_i32_0 : i32, i32
  }
  func.func @transform_13(%arg0: i32, %arg1: i32) -> (i32, i32) {
    %c0_i32 = arith.constant 0 : i32
    %c0_i32_0 = arith.constant 0 : i32
    return %c0_i32, %arg1 : i32, i32
  }
}

</mosaic_0001>

<sc_bundles>
// kernel: kernel.5.cloned.1.call-start
scs
__scs_entry_jumppad:
0x0: {  	(pc) =	sbr.rel $0x88, $3  }
0x1: {  	(tag) =	ssettag $0x0;
	lr =	simm.s32 $0x1  }
0x2: {  	[smem:$0x3F94] =	sst lr;
	_ =	strace $0xD0000000  }
0x3: {  	_ = 	snop  }
0x4: {  	_ = 	snop  }
0x5: {  	_ = 	snop  }
0x6: {  	_ = 	snop  }
0x7: {  	_ = 	snop  }
__scs_overlays_trampoline_lowered:
0x8: {  	[smem:$0x3FA3] =	sst s0  }
0x9: {  	[smem:$0x3FA4] =	sst s1  }
0xa: {  	[smem:$0x3FA5] =	sst s2  }
0xb: {  	[smem:$0x3FA6] =	sst s3  }
0xc: {  	[smem:$0x3FA7] =	sst s4  }
0xd: {  	[smem:$0x3FA8] =	sst s5  }
0xe: {  	[smem:$0x3FA9] =	sst s6  }
0xf: {  	[smem:$0x3FAA] =	sst s7  }
0x10: {  	[smem:$0x3FAB] =	sst s8  }
0x11: {  	[smem:$0x3FAC] =	sst s9;
	s0 =	simm.s32 @!p0 $0x0  }
0x12: {  	s1 =	sld [smem:$0x3F92];
	s0 =	simm.s32 @p0 $0x1  }
0x13: {  	[smem:$0x3FAD] =	sst s0;
	s0 =	simm.s32 @!p1 $0x0  }
0x14: {  	s2 =	sld [smem:$0x3F91];
	s0 =	simm.s32 @p1 $0x1  }
0x15: {  	[smem:$0x3FAE] =	sst s0;
	s0 =	simm.s32 @!p2 $0x0  }
0x16: {  	s3 =	sld [smem:$0x3FDB];
	s0 =	simm.s32 @p2 $0x1  }
0x17: {  	s4 =	simm.s32 $0x1BF5;
	[smem:$0x3FB0] =	sst s0  }
0x18: {  	s0 =	sld [smem:$0x3F93];
	_ =	swait.ge [sflag:s4], $0x0  }
0x19: {  	s7 =	sld [smem:$0x3F94]  }
0x1a: {  	s8 =	sadd.s32 $0xFFFFE003, lr  }
0x1b: {  	s9 =	sadd.s32 $0xFFFFFEF7, lr;
	s5 =	simm.s32 $0xFFFFFFFF;
	p2 =	slt.u32 s8, $0xFFFFF086  }
0x1c: {  	p1 =	slt.u32 s9, $0xF7A;
	s5 =	simm.s32 @!p2 $0x0  }
0x1d: {  	s5 =	simm.s32 @p1 $0x1;
	p0 =	seq.s32 s7, s2  }
0x1e: {  	s7 =	smul.u32 @!p0 $0xF7A, s2;
	p2 =	seq.s32 @!p0 s5, $0x0  }
0x1f: {  	s9 =	smul.u32 $0xF7A, s1;
	s8 =	simm.s32 @!p0 $0x1BF5;
	p2 =	por !p2, p0  }
0x20: {  	[sflag:s8] =	ssyncset.s32 @!p0 $0xFFFFF086;
	s6 =	sadd.s32 @!p0 s3, s7;
	s7 =	simm.s32 @!p0 $0x108  }
0x21: {  	s3 =	sadd.s32 s3, s9;
	s6 =	sadd.s32 @!p0 $0x88, s6;
	s7 =	simm.s32 @p2 $0x1082  }
0x22: {  	[simem:s7], [sflag:s8] =	dma.local @!p0 [hbm:s6], $0xF7A  }
0x23: {  	s9 =	sor.u32 $0xD0000000, s2;
	s6 =	simm.s32 $0x108;
	_ =	swait.ge @!p0 [sflag:s8], $0x0  }
0x24: {  	s3 =	sadd.s32 $0x88, s3;
	s6 =	simm.s32 @!p1 $0x1082;
	[sflag:s4] =	ssyncset.s32 $0xFFFFF086  }
0x25: {  	[simem:s6], [sflag:s4] =	dma.local [hbm:s3], $0xF7A  }
0x26: {  	[smem:$0x3F94] =	sst s1;
	(tag) =	ssettag s2;
	_ =	strace s9  }
0x27: {  	s1 =	sld [smem:$0x3FA4]  }
0x28: {  	s2 =	sld [smem:$0x3FA5]  }
0x29: {  	s4 =	sld [smem:$0x3FA7]  }
0x2a: {  	p0 =	seq.s32 s5, $0x0;
	s5 =	sld [smem:$0x3FA8]  }
0x2b: {  	s6 =	sld [smem:$0x3FA9]  }
0x2c: {  	s7 =	sld [smem:$0x3FAA]  }
0x2d: {  	s3 =	simm.s32 $0x108;
	s8 =	sld [smem:$0x3FAB]  }
0x2e: {  	s3 =	simm.s32 @!p0 $0x1082;
	s9 =	sld [smem:$0x3FAC]  }
0x2f: {  	lr =	sadd.s32 s0, s3;
	s0 =	sld [smem:$0x3FA3]  }
0x30: {  	s3 =	sld [smem:$0x3FA6]  }
0x31: {  	[smem:$0x3FAF] =	sst s10  }
0x32: {  	s10 =	sld [smem:$0x3FAD];
	_ =	sdelay $0x3  }
0x33: {  	p0 =	seq.s32 s10, $0x1;
	s10 =	sld [smem:$0x3FAF];
	_ =	sdelay $0x3  }
0x34: {  	[smem:$0x3FAF] =	sst s10  }
0x35: {  	s10 =	sld [smem:$0x3FAE];
	_ =	sdelay $0x3  }
0x36: {  	p1 =	seq.s32 s10, $0x1;
	s10 =	sld [smem:$0x3FAF];
	_ =	sdelay $0x3  }
0x37: {  	[smem:$0x3FAF] =	sst s10  }
0x38: {  	s10 =	sld [smem:$0x3FB0]  }
0x39: {  	_ = 	snop;
	(pc) =	sbr.ind lr, $3  }
0x3a: {  	_ = 	snop  }
0x3b: {  	_ = 	snop  }
0x3c: {  	p2 =	seq.s32 s10, $0x1;
	s10 =	sld [smem:$0x3FAF]  }
0x3d: {  	_ =	shalt  }
0x3e: {  	_ =	shalt  }
0x3f: {  	_ =	shalt  }
0x40: {  	_ =	shalt  }
0x41: {  	_ =	shalt  }
0x42: {  	_ =	shalt  }
0x43: {  	_ =	shalt  }
0x44: {  	_ =	shalt  }
0x45: {  	_ =	shalt  }
0x46: {  	_ =	shalt  }
0x47: {  	_ =	shalt  }
0x48: {  	_ =	shalt  }
0x49: {  	_ =	shalt  }
0x4a: {  	_ =	shalt  }
0x4b: {  	_ =	shalt  }
0x4c: {  	_ =	shalt  }
0x4d: {  	_ =	shalt  }
0x4e: {  	_ =	shalt  }
0x4f: {  	_ =	shalt  }
0x50: {  	_ =	shalt  }
0x51: {  	_ =	shalt  }
0x52: {  	_ =	shalt  }
0x53: {  	_ =	shalt  }
0x54: {  	_ =	shalt  }
0x55: {  	_ =	shalt  }
0x56: {  	_ =	shalt  }
0x57: {  	_ =	shalt  }
0x58: {  	_ =	shalt  }
0x59: {  	_ =	shalt  }
0x5a: {  	_ =	shalt  }
0x5b: {  	_ =	shalt  }
0x5c: {  	_ =	shalt  }
0x5d: {  	_ =	shalt  }
0x5e: {  	_ =	shalt  }
0x5f: {  	_ =	shalt  }
0x60: {  	_ =	shalt  }
0x61: {  	_ =	shalt  }
0x62: {  	_ =	shalt  }
0x63: {  	_ =	shalt  }
0x64: {  	_ =	shalt  }
0x65: {  	_ =	shalt  }
0x66: {  	_ =	shalt  }
0x67: {  	_ =	shalt  }
0x68: {  	_ =	shalt  }
0x69: {  	_ =	shalt  }
0x6a: {  	_ =	shalt  }
0x6b: {  	_ =	shalt  }
0x6c: {  	_ =	shalt  }
0x6d: {  	_ =	shalt  }
0x6e: {  	_ =	shalt  }
0x6f: {  	_ =	shalt  }
0x70: {  	_ =	shalt  }
0x71: {  	_ =	shalt  }
0x72: {  	_ =	shalt  }
0x73: {  	_ =	shalt  }
0x74: {  	_ =	shalt  }
0x75: {  	_ =	shalt  }
0x76: {  	_ =	shalt  }
0x77: {  	_ =	shalt  }
0x78: {  	_ =	shalt  }
0x79: {  	_ =	shalt  }
0x7a: {  	_ =	shalt  }
0x7b: {  	_ =	shalt  }
0x7c: {  	_ =	shalt  }
0x7d: {  	_ =	shalt  }
0x7e: {  	_ =	shalt  }
0x7f: {  	_ =	shalt  }
0x80: {  	_ =	shalt  }
0x81: {  	_ =	shalt  }
0x82: {  	_ =	shalt  }
0x83: {  	_ =	shalt  }
0x84: {  	_ =	shalt  }
0x85: {  	_ =	shalt  }
0x86: {  	_ =	shalt  }
0x87: {  	_ =	shalt  }
.Lfunc_end0:
.L_simem_size_0:
called_computation_lowered:
.L_overlay_start_0:
0x88: {  	s2 =	sld [smem:$0x3FD9]  }
0x89: {  	s3 =	sld [smem:$0x3FFE];
	_ =	sdelay $0x1  }
0x8a: {  	s1 =	srdreg.scid  }
0x8b: {  	s0 =	sand.u32 $0x1, s1  }
0x8c: {  	s16 =	sshll.u32 s0, $0xA;
	s2 =	sadd.s32 s3, s2  }
0x8d: {  	s2 =	sadd.s32 s2, s16  }
0x8e: {  	[smem:$0x3FBB] =	sst s2  }
0x8f: {  	_ = 	snop  }
0x90: {  	(tm) =	ssettm $0x1  }
0x91: {  	s17 =	sld [smem:$0x3FFB];
	_ =	sdelay $0x3  }
0x92: {  	_ =	strace s17  }
0x93: {  	s2 =	sld [smem:$0x3FFC];
	_ =	sdelay $0x3  }
0x94: {  	_ =	strace s2  }
0x95: {  	s2 =	sld [smem:$0x3FFD];
	_ =	sdelay $0x3  }
0x96: {  	_ =	strace s2  }
0x97: {  	_ =	strace $0x8FFFFFFF  }
0x98: {  	s18 =	sld [smem:$0x3FDB];
	_ =	sdelay $0x1  }
0x99: {  	s19 =	simm.s32 $_scs_section_size  }
0x9a: {  	s4 =	simm.s32 $_size__tile_overlayer_lowered;
	s5 =	simm.s32 $_tile_overlayer_lowered  }
0x9b: {  	s22 =	simm.s32 $0x1BFF;
	s21 =	sshll.u32 s5, $0x1;
	s2 =	sadd.s32 s19, s18  }
0x9c: {  	s6 =	simm.s32 $0x0;
	s20 =	sshll.u32 s4, $0x1;
	s4 =	sadd.s32 s21, s2  }
0x9d: {  	[timem:s6], [sflag:s22] =	dma.local [hbm:s4], s20  }
0x9e: {  	_ =	swait.ge [sflag:s22], s20  }
0x9f: {  	s3 =	ssub.s32 $0x0, s20;
	[sflag:s22] =	ssyncset.done $0x0  }
0xa0: {  	[sflag:s22] =	ssyncadd.s32 s3;
	_ =	sdelay $0x1  }
0xa1: {  	s23 =	simm.s32 $0x1B8B  }
0xa2: {  	_ =	swait.ge [sflag:s23], $0x1  }
0xa3: {  	[sflag:s23] =	ssyncset.done $0x0  }
0xa4: {  	s25 =	simm.s32 $0x1B8E;
	s24 =	sld [smem:$0x3FFE];
	[sflag:s23] =	ssyncadd.s32 $0xFFFFFFFF  }
0xa5: {  	s26 =	simm.s32 $execute0_lowered;
	[smem:$0x3FD2] =	sst s25  }
0xa6: {  	s4 =	sshll.u32 s26, $0x1;
	_ =	strace $0x80000046;
	[dreg:$0x1] =	wrdreg $0xFFFFFFFF  }
0xa7: {  	s28 =	simm.s32 $_size_execute0_lowered;
	s2 =	sadd.s32 s2, s4;
	[dreg:$0x0] =	wrdreg $0x0  }
0xa8: {  	s4 =	sshll.u32 s28, $0x1;
	[dreg:$0x2] =	wrdreg s2  }
0xa9: {  	[dreg:$0x3] =	wrdreg s4  }
0xaa: {  	[dreg:$0x4] =	wrdreg $0xC0  }
0xab: {  	_ =	task [dreg:s6], $0x5FFFF  }
0xac: {  	[dreg:$0x1] =	wrdreg $0xFFFFFFFF  }
0xad: {  	[dreg:$0x0] =	wrdreg $0x60  }
0xae: {  	[dreg:$0x2] =	wrdreg s24  }
0xaf: {  	[dreg:$0x3] =	wrdreg $0x9  }
0xb0: {  	_ =	task.clear_ibuf [dreg:s6], $0x4FFFF;
	_ =	strace $0x90000046  }
0xb1: {  	s29 =	simm.s32 $0x9;
	_ =	strace $0x80000048  }
0xb2: {  	_ =	swait.ge [sflag:s29], $0x1  }
0xb3: {  	[sflag:s29] =	ssyncadd.s32 $0xFFFFFFFF  }
0xb4: {  	_ =	strace $0x90000048  }
0xb5: {  	_ =	sfence  }
0xb6: {  	s30 =	sld [smem:$0x0];
	_ =	sdelay $0x2  }
0xb7: {  	s31 =	sshll.u32 s1, $0xD;
	s1 =	sshrl.u32 s1, $0x2  }
0xb8: {  	s3 =	sand.u32 $0x4000, s31;
	s1 =	sadd.s32 s1, s30  }
0xb9: {  	s0 =	sor.u32 s3, s0;
	s1 =	sshll.u32 s1, $0x11  }
0xba: {  	s0 =	sor.u32 s1, s0  }
0xbb: {  	s0 =	sadd.s32 $0x8F2B, s0  }
0xbc: {  	[sflag:s0] =	ssyncadd.remote.s32 $0x1  }
0xbd: {  	_ =	sfence.sel $0xFFFF  }
0xbe: {  	[dreg:$0x0] =	wrdreg $0xFFFFFFFF;
	(pc) =	sbr.abs _section_cstart, $3  }
0xbf: {  	[dreg:$0x1] =	wrdreg $0xFFFFFFFF  }
0xc0: {  	_ =	task.clear_ibuf [dreg:s6], $0x2FFFF;
	_ =	strace $0x9FFFFFFF  }
0xc1: {  	(tm) =	ssettm $0x7FFFFFFF  }
tec
execute0_lowered:
.L_overlay_start_1:
0x0: {  	(tag) =	ssettag $0x1  }
0x1: {  	s10 =	rddreg [dreg:$0x0]  }
0x2: {  	s0 =	rddreg [dreg:$0x1];
	s2 =	simm.s32 $0x0  }
0x3: {  	s3 =	srdreg.scid;
	s1 =	stileid.u32;
	s12 =	simm.s32 $0x1  }
0x4: {  	s13 =	simm.s32 $0x1C700;
	s14 =	simm.s32 $0x1D700;
	s15 =	simm.s32 $0x0  }
0x5: {  	[smem:$0x7FF] =	sst s2;
	s4 =	sand.u32 $0x1, s3;
	s3 =	sadd.s32 $0xF90E00, s10  }
0x6: {  	s5 =	sshll.u32 s1, $0x1;
	p0 =	slt.u32 s1, $0xC;
	_ =	strace $0x80000047  }
0x7: {  	s6 =	ssub.s32 $0x2, s4;
	s7 =	sor.u32 s4, s5;
	s4 =	sadd.s32 $0x1800, s10  }
0x8: {  	s5 =	sadd.s32 $0xE800, s10;
	s8 =	sshrl.u32 s6, $0x1;
	s9 =	smul.u32 $0x28, s7  }
0x9: {  	s31 =	smin.u32 s7, $0x18;
	s7 =	simm.s32 $0x29;
	s11 =	ssub.s32 s6, s8  }
0xa: {  	s7 =	simm.s32 @!p0 $0x28;
	s8 =	sadd.s32 $0xEA00, s10;
	s6 =	sadd.s32 s31, s9  }
0xb: {  	s9 =	sadd.s32 $0xEC00, s10;
	s10 =	sadd.s32 $0xEE00, s10;
	s11 =	smax.u32 s11, $0x1  }
.LBB2_1:
0xc: {  	s16 =	simm.s32 $0xFFFFFFFF;
	s17 =	simm.s32 $0x0  }
.LBB2_2:
0xd: {  	s18 =	sadd.s32 s17, s6  }
0xe: {  	p0 =	slt.s32 s18, $0x513;
	s19 =	smov.u32 s18  }
0xf: {  	s19 =	simm.s32 @!p0 $0x513  }
0x10: {  	s20 =	smul.u32 $0x51F, s19;
	_ =	sdelay $0x1  }
0x11: {  	s21 =	smov.u32 s16;
	s16 =	sshrl.u32 s20, $0x10  }
0x12: {  	p0 =	seq.s32 s16, s21  }
0x13: {  	s20 =	sshll.u32 @!p0 s16, $0xB  }
0x14: {  	s21 =	simm.s32 @!p0 $0x0;
	s22 =	simm.s32 @!p0 $0x18700;
	s20 =	sadd.s32 @!p0 s4, s20  }
0x15: {  	[tilespmem:s22], [sflag:$0x1] =	stream.linear.gather @!p0 [hbm4b:s20+s21], $0x4000, $0x38;
	[tilespmem:$0x1E700] =	vst v63  }
0x16: {  	s20 =	simm.s32 @!p0 $0x1  }
0x17: {  	s19 =	smul.u32 $0x30E0, s19;
	_ =	swait.ge @!p0 [sflag:s20], $0x4000  }
0x18: {  	[sflag:s20] =	ssyncset.done @!p0 $0x0  }
0x19: {  	s31 =	simm.s32 $0x0;
	s19 =	sadd.s32 s3, s19;
	[sflag:s20] =	ssyncadd.s32 @!p0 $0xFFFFC000  }
0x1a: {  	[tilespmem:s31], [sflag:$0x1] =	stream.linear.gather [hbm4b:s19+s31], $0x18700, $0x38;
	[tilespmem:$0x1E700] =	vst v63  }
0x1b: {  	_ =	swait.ge [sflag:s12], $0x18700  }
0x1c: {  	[sflag:s12] =	ssyncset.done $0x0  }
0x1d: {  	s19 =	simm.s32 $0x0;
	[sflag:s12] =	ssyncadd.s32 $0xFFFE7900  }
0x1e: {  	v0 =	vld [tilespmem:s19+$0x18700];
	_ =	sdelay $0x5  }
0x1f: {  	v1 =	vld [tilespmem:s19+$0x18710];
	_ =	sdelay $0x1  }
0x20: {  	v0 =	vld.idx.msk [tilespmem:v0+s2+$0x0], $0xffff;
	_ =	sdelay $0x4  }
0x21: {  	[tilespmem:s19+$0x1C700] =	vst v0;
	v0 =	vld [tilespmem:s19+$0x18720]  }
0x22: {  	v1 =	vld.idx.msk [tilespmem:v1+s2+$0x0], $0xffff;
	_ =	sdelay $0x4  }
0x23: {  	[tilespmem:s19+$0x1C710] =	vst v1;
	v1 =	vld [tilespmem:s19+$0x18730];
	_ =	sdelay $0x1  }
0x24: {  	v0 =	vld.idx.msk [tilespmem:v0+s2+$0x0], $0xffff;
	_ =	sdelay $0x4  }
0x25: {  	[tilespmem:s19+$0x1C720] =	vst v0;
	v0 =	vld [tilespmem:s19+$0x18740]  }
0x26: {  	v1 =	vld.idx.msk [tilespmem:v1+s2+$0x0], $0xffff;
	_ =	sdelay $0x4  }
0x27: {  	[tilespmem:s19+$0x1C730] =	vst v1;
	v1 =	vld [tilespmem:s19+$0x18750];
	_ =	sdelay $0x1  }
0x28: {  	v0 =	vld.idx.msk [tilespmem:v0+s2+$0x0], $0xffff;
	_ =	sdelay $0x4  }
0x29: {  	v2 =	vld [tilespmem:s19+$0x18760];
	[tilespmem:s19+$0x1C740] =	vst v0  }
0x2a: {  	v0 =	vld.idx.msk [tilespmem:v1+s2+$0x0], $0xffff;
	_ =	sdelay $0x4  }
0x2b: {  	[tilespmem:s19+$0x1C750] =	vst v0;
	v0 =	vld [tilespmem:s19+$0x18770];
	_ =	sdelay $0x1  }
0x2c: {  	v1 =	vld.idx.msk [tilespmem:v2+s2+$0x0], $0xffff;
	_ =	sdelay $0x3  }
0x2d: {  	s21 =	simm.s32 $0x80;
	s20 =	simm.s32 $0x400  }
.LBB2_3:
0x2e: {  	p0 =	sne.s32 s20, $0x3E00;
	v2 =	vld [tilespmem:s21+$0x18700];
	[tilespmem:s19+$0x1C760] =	vst v1  }
0x2f: {  	v0 =	vld.idx.msk [tilespmem:v0+s2+$0x0], $0xffff;
	_ =	sdelay $0x5  }
0x30: {  	v1 =	vld [tilespmem:s21+$0x18710];
	[tilespmem:s19+$0x1C770] =	vst v0;
	s19 =	smov.u32 s21  }
0x31: {  	v0 =	vld.idx.msk [tilespmem:v2+s2+$0x0], $0xffff;
	_ =	sdelay $0x5  }
0x32: {  	[tilespmem:s19+$0x1C700] =	vst v0;
	v0 =	vld [tilespmem:s19+$0x18720]  }
0x33: {  	v1 =	vld.idx.msk [tilespmem:v1+s2+$0x0], $0xffff;
	_ =	sdelay $0x5  }
0x34: {  	[tilespmem:s19+$0x1C710] =	vst v1;
	v1 =	vld [tilespmem:s19+$0x18730]  }
0x35: {  	v0 =	vld.idx.msk [tilespmem:v0+s2+$0x0], $0xffff;
	_ =	sdelay $0x5  }
0x36: {  	[tilespmem:s19+$0x1C720] =	vst v0;
	v0 =	vld [tilespmem:s19+$0x18740]  }
0x37: {  	v1 =	vld.idx.msk [tilespmem:v1+s2+$0x0], $0xffff;
	_ =	sdelay $0x5  }
0x38: {  	[tilespmem:s19+$0x1C730] =	vst v1;
	v1 =	vld [tilespmem:s19+$0x18750]  }
0x39: {  	v0 =	vld.idx.msk [tilespmem:v0+s2+$0x0], $0xffff;
	_ =	sdelay $0x5  }
0x3a: {  	[tilespmem:s19+$0x1C740] =	vst v0;
	v2 =	vld [tilespmem:s19+$0x18760]  }
0x3b: {  	v0 =	vld.idx.msk [tilespmem:v1+s2+$0x0], $0xffff;
	_ =	sdelay $0x5  }
0x3c: {  	[tilespmem:s19+$0x1C750] =	vst v0;
	v0 =	vld [tilespmem:s19+$0x18770]  }
0x3d: {  	v1 =	vld.idx.msk [tilespmem:v2+s2+$0x0], $0xffff  }
.Ltmp0:
0x3e: {  	(pc) =	sbr.rel @p0 .LBB2_3-.Ltmp0, $2  }
0x3f: {  	_ =	sdelay $0x2  }
0x40: {  	s21 =	sshra.s32 s20, $0x2;
	s20 =	sadd.s32 $0x200, s20  }
0x41: {  	_ =	sdelay $0x1  }
0x42: {  	v2 =	vld [tilespmem:s21+$0x18700]  }
0x43: {  	[tilespmem:s19+$0x1C760] =	vst v1  }
0x44: {  	v0 =	vld.idx.msk [tilespmem:v0+s2+$0x0], $0xffff;
	_ =	sdelay $0x3  }
0x45: {  	v1 =	vld [tilespmem:s21+$0x18710]  }
0x46: {  	[tilespmem:s19+$0x1C770] =	vst v0  }
0x47: {  	v0 =	vld.idx.msk [tilespmem:v2+s2+$0x0], $0xffff;
	_ =	sdelay $0x4  }
0x48: {  	[tilespmem:s21+$0x1C700] =	vst v0;
	v0 =	vld [tilespmem:s21+$0x18720]  }
0x49: {  	v1 =	vld.idx.msk [tilespmem:v1+s2+$0x0], $0xffff;
	_ =	sdelay $0x4  }
0x4a: {  	[tilespmem:s21+$0x1C710] =	vst v1;
	v1 =	vld [tilespmem:s21+$0x18730];
	_ =	sdelay $0x1  }
0x4b: {  	v0 =	vld.idx.msk [tilespmem:v0+s2+$0x0], $0xffff;
	_ =	sdelay $0x4  }
0x4c: {  	[tilespmem:s21+$0x1C720] =	vst v0;
	v0 =	vld [tilespmem:s21+$0x18740]  }
0x4d: {  	v1 =	vld.idx.msk [tilespmem:v1+s2+$0x0], $0xffff;
	_ =	sdelay $0x4  }
0x4e: {  	[tilespmem:s21+$0x1C730] =	vst v1;
	v1 =	vld [tilespmem:s21+$0x18750];
	_ =	sdelay $0x1  }
0x4f: {  	v0 =	vld.idx.msk [tilespmem:v0+s2+$0x0], $0xffff;
	_ =	sdelay $0x4  }
0x50: {  	[tilespmem:s21+$0x1C740] =	vst v0;
	v0 =	vld [tilespmem:s21+$0x18760]  }
0x51: {  	v1 =	vld.idx.msk [tilespmem:v1+s2+$0x0], $0xffff;
	_ =	sdelay $0x4  }
0x52: {  	[tilespmem:s21+$0x1C750] =	vst v1;
	v1 =	vld [tilespmem:s21+$0x18770];
	_ =	sdelay $0x1  }
0x53: {  	v0 =	vld.idx.msk [tilespmem:v0+s2+$0x0], $0xffff;
	_ =	sdelay $0x4  }
0x54: {  	[tilespmem:s21+$0x1C760] =	vst v0  }
0x55: {  	v0 =	vld.idx.msk [tilespmem:v1+s2+$0x0], $0xffff;
	_ =	sdelay $0x2  }
0x56: {  	s18 =	sshll.u32 s18, $0xB  }
0x57: {  	s18 =	sand.u32 $0x1FFFF800, s18  }
0x58: {  	s20 =	simm.s32 $0x0;
	s31 =	sadd.s32 s5, s18;
	[tilespmem:s21+$0x1C770] =	vst v0  }
0x59: {  	[hbm4b:s31+s20] =	stream.linear.scatter [tilespmem:s13], [sflag:$0x1], $0x1000, $0x38;
	[tilespmem:$0x1E700] =	vst v63  }
0x5a: {  	_ =	swait.ge [sflag:s12], $0x1000  }
0x5b: {  	[sflag:s12] =	ssyncset.done $0x0  }
0x5c: {  	s19 =	simm.s32 $0x0;
	[sflag:s12] =	ssyncadd.s32 $0xFFFFF000  }
0x5d: {  	v0 =	vld [tilespmem:s19+$0x19700];
	_ =	sdelay $0x5  }
0x5e: {  	v1 =	vld [tilespmem:s19+$0x19710];
	_ =	sdelay $0x1  }
0x5f: {  	v0 =	vld.idx.msk [tilespmem:v0+s2+$0x0], $0xffff;
	_ =	sdelay $0x4  }
0x60: {  	[tilespmem:s19+$0x1D700] =	vst v0;
	v0 =	vld [tilespmem:s19+$0x19720]  }
0x61: {  	v1 =	vld.idx.msk [tilespmem:v1+s2+$0x0], $0xffff;
	_ =	sdelay $0x4  }
0x62: {  	[tilespmem:s19+$0x1D710] =	vst v1;
	v1 =	vld [tilespmem:s19+$0x19730];
	_ =	sdelay $0x1  }
0x63: {  	v0 =	vld.idx.msk [tilespmem:v0+s2+$0x0], $0xffff;
	_ =	sdelay $0x4  }
0x64: {  	[tilespmem:s19+$0x1D720] =	vst v0;
	v0 =	vld [tilespmem:s19+$0x19740]  }
0x65: {  	v1 =	vld.idx.msk [tilespmem:v1+s2+$0x0], $0xffff;
	_ =	sdelay $0x4  }
0x66: {  	[tilespmem:s19+$0x1D730] =	vst v1;
	v1 =	vld [tilespmem:s19+$0x19750];
	_ =	sdelay $0x1  }
0x67: {  	v0 =	vld.idx.msk [tilespmem:v0+s2+$0x0], $0xffff;
	_ =	sdelay $0x4  }
0x68: {  	v2 =	vld [tilespmem:s19+$0x19760];
	[tilespmem:s19+$0x1D740] =	vst v0  }
0x69: {  	v0 =	vld.idx.msk [tilespmem:v1+s2+$0x0], $0xffff;
	_ =	sdelay $0x4  }
0x6a: {  	[tilespmem:s19+$0x1D750] =	vst v0;
	v0 =	vld [tilespmem:s19+$0x19770];
	_ =	sdelay $0x1  }
0x6b: {  	v1 =	vld.idx.msk [tilespmem:v2+s2+$0x0], $0xffff;
	_ =	sdelay $0x3  }
0x6c: {  	s21 =	simm.s32 $0x80;
	s20 =	simm.s32 $0x400  }
.LBB2_5:
0x6d: {  	p0 =	sne.s32 s20, $0x3E00;
	v2 =	vld [tilespmem:s21+$0x19700];
	[tilespmem:s19+$0x1D760] =	vst v1  }
0x6e: {  	v0 =	vld.idx.msk [tilespmem:v0+s2+$0x0], $0xffff;
	_ =	sdelay $0x5  }
0x6f: {  	v1 =	vld [tilespmem:s21+$0x19710];
	[tilespmem:s19+$0x1D770] =	vst v0;
	s19 =	smov.u32 s21  }
0x70: {  	v0 =	vld.idx.msk [tilespmem:v2+s2+$0x0], $0xffff;
	_ =	sdelay $0x5  }
0x71: {  	[tilespmem:s19+$0x1D700] =	vst v0;
	v0 =	vld [tilespmem:s19+$0x19720]  }
0x72: {  	v1 =	vld.idx.msk [tilespmem:v1+s2+$0x0], $0xffff;
	_ =	sdelay $0x5  }
0x73: {  	[tilespmem:s19+$0x1D710] =	vst v1;
	v1 =	vld [tilespmem:s19+$0x19730]  }
0x74: {  	v0 =	vld.idx.msk [tilespmem:v0+s2+$0x0], $0xffff;
	_ =	sdelay $0x5  }
0x75: {  	[tilespmem:s19+$0x1D720] =	vst v0;
	v0 =	vld [tilespmem:s19+$0x19740]  }
0x76: {  	v1 =	vld.idx.msk [tilespmem:v1+s2+$0x0], $0xffff;
	_ =	sdelay $0x5  }
0x77: {  	[tilespmem:s19+$0x1D730] =	vst v1;
	v1 =	vld [tilespmem:s19+$0x19750]  }
0x78: {  	v0 =	vld.idx.msk [tilespmem:v0+s2+$0x0], $0xffff;
	_ =	sdelay $0x5  }
0x79: {  	[tilespmem:s19+$0x1D740] =	vst v0;
	v2 =	vld [tilespmem:s19+$0x19760]  }
0x7a: {  	v0 =	vld.idx.msk [tilespmem:v1+s2+$0x0], $0xffff;
	_ =	sdelay $0x5  }
0x7b: {  	[tilespmem:s19+$0x1D750] =	vst v0;
	v0 =	vld [tilespmem:s19+$0x19770]  }
0x7c: {  	v1 =	vld.idx.msk [tilespmem:v2+s2+$0x0], $0xffff  }
.Ltmp1:
0x7d: {  	(pc) =	sbr.rel @p0 .LBB2_5-.Ltmp1, $2  }
0x7e: {  	_ =	sdelay $0x2  }
0x7f: {  	s21 =	sshra.s32 s20, $0x2;
	s20 =	sadd.s32 $0x200, s20  }
0x80: {  	_ =	sdelay $0x1  }
0x81: {  	v2 =	vld [tilespmem:s21+$0x19700]  }
0x82: {  	[tilespmem:s19+$0x1D760] =	vst v1  }
0x83: {  	v0 =	vld.idx.msk [tilespmem:v0+s2+$0x0], $0xffff;
	_ =	sdelay $0x3  }
0x84: {  	v1 =	vld [tilespmem:s21+$0x19710]  }
0x85: {  	[tilespmem:s19+$0x1D770] =	vst v0  }
0x86: {  	v0 =	vld.idx.msk [tilespmem:v2+s2+$0x0], $0xffff;
	_ =	sdelay $0x4  }
0x87: {  	[tilespmem:s21+$0x1D700] =	vst v0;
	v0 =	vld [tilespmem:s21+$0x19720]  }
0x88: {  	v1 =	vld.idx.msk [tilespmem:v1+s2+$0x0], $0xffff;
	_ =	sdelay $0x4  }
0x89: {  	[tilespmem:s21+$0x1D710] =	vst v1;
	v1 =	vld [tilespmem:s21+$0x19730];
	_ =	sdelay $0x1  }
0x8a: {  	v0 =	vld.idx.msk [tilespmem:v0+s2+$0x0], $0xffff;
	_ =	sdelay $0x4  }
0x8b: {  	[tilespmem:s21+$0x1D720] =	vst v0;
	v0 =	vld [tilespmem:s21+$0x19740]  }
0x8c: {  	v1 =	vld.idx.msk [tilespmem:v1+s2+$0x0], $0xffff;
	_ =	sdelay $0x4  }
0x8d: {  	[tilespmem:s21+$0x1D730] =	vst v1;
	v1 =	vld [tilespmem:s21+$0x19750];
	_ =	sdelay $0x1  }
0x8e: {  	v0 =	vld.idx.msk [tilespmem:v0+s2+$0x0], $0xffff;
	_ =	sdelay $0x4  }
0x8f: {  	[tilespmem:s21+$0x1D740] =	vst v0;
	v0 =	vld [tilespmem:s21+$0x19760]  }
0x90: {  	v1 =	vld.idx.msk [tilespmem:v1+s2+$0x0], $0xffff;
	_ =	sdelay $0x4  }
0x91: {  	[tilespmem:s21+$0x1D750] =	vst v1;
	v1 =	vld [tilespmem:s21+$0x19770];
	_ =	sdelay $0x1  }
0x92: {  	v0 =	vld.idx.msk [tilespmem:v0+s2+$0x0], $0xffff;
	_ =	sdelay $0x4  }
0x93: {  	[tilespmem:s21+$0x1D760] =	vst v0  }
0x94: {  	v0 =	vld.idx.msk [tilespmem:v1+s2+$0x0], $0xffff;
	_ =	sdelay $0x4  }
0x95: {  	s31 =	sadd.s32 s18, s8;
	s20 =	simm.s32 $0x0;
	[tilespmem:s21+$0x1D770] =	vst v0  }
0x96: {  	[hbm4b:s31+s20] =	stream.linear.scatter [tilespmem:s14], [sflag:$0x1], $0x1000, $0x38;
	[tilespmem:$0x1E700] =	vst v63  }
0x97: {  	_ =	swait.ge [sflag:s12], $0x1000  }
0x98: {  	[sflag:s12] =	ssyncset.done $0x0  }
0x99: {  	s19 =	simm.s32 $0x0;
	[sflag:s12] =	ssyncadd.s32 $0xFFFFF000  }
0x9a: {  	v0 =	vld [tilespmem:s19+$0x1A700];
	_ =	sdelay $0x5  }
0x9b: {  	v1 =	vld [tilespmem:s19+$0x1A710];
	_ =	sdelay $0x1  }
0x9c: {  	v0 =	vld.idx.msk [tilespmem:v0+s2+$0x0], $0xffff;
	_ =	sdelay $0x4  }
0x9d: {  	[tilespmem:s19+$0x1C700] =	vst v0;
	v0 =	vld [tilespmem:s19+$0x1A720]  }
0x9e: {  	v1 =	vld.idx.msk [tilespmem:v1+s2+$0x0], $0xffff;
	_ =	sdelay $0x4  }
0x9f: {  	[tilespmem:s19+$0x1C710] =	vst v1;
	v1 =	vld [tilespmem:s19+$0x1A730];
	_ =	sdelay $0x1  }
0xa0: {  	v0 =	vld.idx.msk [tilespmem:v0+s2+$0x0], $0xffff;
	_ =	sdelay $0x4  }
0xa1: {  	[tilespmem:s19+$0x1C720] =	vst v0;
	v0 =	vld [tilespmem:s19+$0x1A740]  }
0xa2: {  	v1 =	vld.idx.msk [tilespmem:v1+s2+$0x0], $0xffff;
	_ =	sdelay $0x4  }
0xa3: {  	[tilespmem:s19+$0x1C730] =	vst v1;
	v1 =	vld [tilespmem:s19+$0x1A750];
	_ =	sdelay $0x1  }
0xa4: {  	v0 =	vld.idx.msk [tilespmem:v0+s2+$0x0], $0xffff;
	_ =	sdelay $0x4  }
0xa5: {  	v2 =	vld [tilespmem:s19+$0x1A760];
	[tilespmem:s19+$0x1C740] =	vst v0  }
0xa6: {  	v0 =	vld.idx.msk [tilespmem:v1+s2+$0x0], $0xffff;
	_ =	sdelay $0x4  }
0xa7: {  	[tilespmem:s19+$0x1C750] =	vst v0;
	v0 =	vld [tilespmem:s19+$0x1A770];
	_ =	sdelay $0x1  }
0xa8: {  	v1 =	vld.idx.msk [tilespmem:v2+s2+$0x0], $0xffff;
	_ =	sdelay $0x3  }
0xa9: {  	s21 =	simm.s32 $0x80;
	s20 =	simm.s32 $0x400  }
.LBB2_7:
0xaa: {  	p0 =	sne.s32 s20, $0x3E00;
	v2 =	vld [tilespmem:s21+$0x1A700];
	[tilespmem:s19+$0x1C760] =	vst v1  }
0xab: {  	v0 =	vld.idx.msk [tilespmem:v0+s2+$0x0], $0xffff;
	_ =	sdelay $0x5  }
0xac: {  	v1 =	vld [tilespmem:s21+$0x1A710];
	[tilespmem:s19+$0x1C770] =	vst v0;
	s19 =	smov.u32 s21  }
0xad: {  	v0 =	vld.idx.msk [tilespmem:v2+s2+$0x0], $0xffff;
	_ =	sdelay $0x5  }
0xae: {  	[tilespmem:s19+$0x1C700] =	vst v0;
	v0 =	vld [tilespmem:s19+$0x1A720]  }
0xaf: {  	v1 =	vld.idx.msk [tilespmem:v1+s2+$0x0], $0xffff;
	_ =	sdelay $0x5  }
0xb0: {  	[tilespmem:s19+$0x1C710] =	vst v1;
	v1 =	vld [tilespmem:s19+$0x1A730]  }
0xb1: {  	v0 =	vld.idx.msk [tilespmem:v0+s2+$0x0], $0xffff;
	_ =	sdelay $0x5  }
0xb2: {  	[tilespmem:s19+$0x1C720] =	vst v0;
	v0 =	vld [tilespmem:s19+$0x1A740]  }
0xb3: {  	v1 =	vld.idx.msk [tilespmem:v1+s2+$0x0], $0xffff;
	_ =	sdelay $0x5  }
0xb4: {  	[tilespmem:s19+$0x1C730] =	vst v1;
	v1 =	vld [tilespmem:s19+$0x1A750]  }
0xb5: {  	v0 =	vld.idx.msk [tilespmem:v0+s2+$0x0], $0xffff;
	_ =	sdelay $0x5  }
0xb6: {  	[tilespmem:s19+$0x1C740] =	vst v0;
	v2 =	vld [tilespmem:s19+$0x1A760]  }
0xb7: {  	v0 =	vld.idx.msk [tilespmem:v1+s2+$0x0], $0xffff;
	_ =	sdelay $0x5  }
0xb8: {  	[tilespmem:s19+$0x1C750] =	vst v0;
	v0 =	vld [tilespmem:s19+$0x1A770]  }
0xb9: {  	v1 =	vld.idx.msk [tilespmem:v2+s2+$0x0], $0xffff  }
.Ltmp2:
0xba: {  	(pc) =	sbr.rel @p0 .LBB2_7-.Ltmp2, $2  }
0xbb: {  	_ =	sdelay $0x2  }
0xbc: {  	s21 =	sshra.s32 s20, $0x2;
	s20 =	sadd.s32 $0x200, s20  }
0xbd: {  	_ =	sdelay $0x1  }
0xbe: {  	v2 =	vld [tilespmem:s21+$0x1A700]  }
0xbf: {  	[tilespmem:s19+$0x1C760] =	vst v1  }
0xc0: {  	v0 =	vld.idx.msk [tilespmem:v0+s2+$0x0], $0xffff;
	_ =	sdelay $0x3  }
0xc1: {  	v1 =	vld [tilespmem:s21+$0x1A710]  }
0xc2: {  	[tilespmem:s19+$0x1C770] =	vst v0  }
0xc3: {  	v0 =	vld.idx.msk [tilespmem:v2+s2+$0x0], $0xffff;
	_ =	sdelay $0x4  }
0xc4: {  	[tilespmem:s21+$0x1C700] =	vst v0;
	v0 =	vld [tilespmem:s21+$0x1A720]  }
0xc5: {  	v1 =	vld.idx.msk [tilespmem:v1+s2+$0x0], $0xffff;
	_ =	sdelay $0x4  }
0xc6: {  	[tilespmem:s21+$0x1C710] =	vst v1;
	v1 =	vld [tilespmem:s21+$0x1A730];
	_ =	sdelay $0x1  }
0xc7: {  	v0 =	vld.idx.msk [tilespmem:v0+s2+$0x0], $0xffff;
	_ =	sdelay $0x4  }
0xc8: {  	[tilespmem:s21+$0x1C720] =	vst v0;
	v0 =	vld [tilespmem:s21+$0x1A740]  }
0xc9: {  	v1 =	vld.idx.msk [tilespmem:v1+s2+$0x0], $0xffff;
	_ =	sdelay $0x4  }
0xca: {  	[tilespmem:s21+$0x1C730] =	vst v1;
	v1 =	vld [tilespmem:s21+$0x1A750];
	_ =	sdelay $0x1  }
0xcb: {  	v0 =	vld.idx.msk [tilespmem:v0+s2+$0x0], $0xffff;
	_ =	sdelay $0x4  }
0xcc: {  	[tilespmem:s21+$0x1C740] =	vst v0;
	v0 =	vld [tilespmem:s21+$0x1A760]  }
0xcd: {  	v1 =	vld.idx.msk [tilespmem:v1+s2+$0x0], $0xffff;
	_ =	sdelay $0x4  }
0xce: {  	[tilespmem:s21+$0x1C750] =	vst v1;
	v1 =	vld [tilespmem:s21+$0x1A770];
	_ =	sdelay $0x1  }
0xcf: {  	v0 =	vld.idx.msk [tilespmem:v0+s2+$0x0], $0xffff;
	_ =	sdelay $0x4  }
0xd0: {  	[tilespmem:s21+$0x1C760] =	vst v0  }
0xd1: {  	v0 =	vld.idx.msk [tilespmem:v1+s2+$0x0], $0xffff;
	_ =	sdelay $0x4  }
0xd2: {  	s31 =	sadd.s32 s18, s9;
	s20 =	simm.s32 $0x0;
	[tilespmem:s21+$0x1C770] =	vst v0  }
0xd3: {  	[hbm4b:s31+s20] =	stream.linear.scatter [tilespmem:s13], [sflag:$0x1], $0x1000, $0x38;
	[tilespmem:$0x1E700] =	vst v63  }
0xd4: {  	_ =	swait.ge [sflag:s12], $0x1000  }
0xd5: {  	[sflag:s12] =	ssyncset.done $0x0  }
0xd6: {  	s19 =	simm.s32 $0x0;
	[sflag:s12] =	ssyncadd.s32 $0xFFFFF000  }
0xd7: {  	v0 =	vld [tilespmem:s19+$0x1B700];
	_ =	sdelay $0x5  }
0xd8: {  	v1 =	vld [tilespmem:s19+$0x1B710];
	_ =	sdelay $0x1  }
0xd9: {  	v0 =	vld.idx.msk [tilespmem:v0+s2+$0x0], $0xffff;
	_ =	sdelay $0x4  }
0xda: {  	[tilespmem:s19+$0x1D700] =	vst v0;
	v0 =	vld [tilespmem:s19+$0x1B720]  }
0xdb: {  	v1 =	vld.idx.msk [tilespmem:v1+s2+$0x0], $0xffff;
	_ =	sdelay $0x4  }
0xdc: {  	[tilespmem:s19+$0x1D710] =	vst v1;
	v1 =	vld [tilespmem:s19+$0x1B730];
	_ =	sdelay $0x1  }
0xdd: {  	v0 =	vld.idx.msk [tilespmem:v0+s2+$0x0], $0xffff;
	_ =	sdelay $0x4  }
0xde: {  	[tilespmem:s19+$0x1D720] =	vst v0;
	v0 =	vld [tilespmem:s19+$0x1B740]  }
0xdf: {  	v1 =	vld.idx.msk [tilespmem:v1+s2+$0x0], $0xffff;
	_ =	sdelay $0x4  }
0xe0: {  	[tilespmem:s19+$0x1D730] =	vst v1;
	v1 =	vld [tilespmem:s19+$0x1B750];
	_ =	sdelay $0x1  }
0xe1: {  	v0 =	vld.idx.msk [tilespmem:v0+s2+$0x0], $0xffff;
	_ =	sdelay $0x4  }
0xe2: {  	v2 =	vld [tilespmem:s19+$0x1B760];
	[tilespmem:s19+$0x1D740] =	vst v0  }
0xe3: {  	v0 =	vld.idx.msk [tilespmem:v1+s2+$0x0], $0xffff;
	_ =	sdelay $0x4  }
0xe4: {  	[tilespmem:s19+$0x1D750] =	vst v0;
	v0 =	vld [tilespmem:s19+$0x1B770];
	_ =	sdelay $0x1  }
0xe5: {  	v1 =	vld.idx.msk [tilespmem:v2+s2+$0x0], $0xffff;
	_ =	sdelay $0x3  }
0xe6: {  	s21 =	simm.s32 $0x80;
	s20 =	simm.s32 $0x400  }
.LBB2_9:
0xe7: {  	p0 =	sne.s32 s20, $0x3E00;
	v2 =	vld [tilespmem:s21+$0x1B700];
	[tilespmem:s19+$0x1D760] =	vst v1  }
0xe8: {  	v0 =	vld.idx.msk [tilespmem:v0+s2+$0x0], $0xffff;
	_ =	sdelay $0x5  }
0xe9: {  	v1 =	vld [tilespmem:s21+$0x1B710];
	[tilespmem:s19+$0x1D770] =	vst v0;
	s19 =	smov.u32 s21  }
0xea: {  	v0 =	vld.idx.msk [tilespmem:v2+s2+$0x0], $0xffff;
	_ =	sdelay $0x5  }
0xeb: {  	[tilespmem:s19+$0x1D700] =	vst v0;
	v0 =	vld [tilespmem:s19+$0x1B720]  }
0xec: {  	v1 =	vld.idx.msk [tilespmem:v1+s2+$0x0], $0xffff;
	_ =	sdelay $0x5  }
0xed: {  	[tilespmem:s19+$0x1D710] =	vst v1;
	v1 =	vld [tilespmem:s19+$0x1B730]  }
0xee: {  	v0 =	vld.idx.msk [tilespmem:v0+s2+$0x0], $0xffff;
	_ =	sdelay $0x5  }
0xef: {  	[tilespmem:s19+$0x1D720] =	vst v0;
	v0 =	vld [tilespmem:s19+$0x1B740]  }
0xf0: {  	v1 =	vld.idx.msk [tilespmem:v1+s2+$0x0], $0xffff;
	_ =	sdelay $0x5  }
0xf1: {  	[tilespmem:s19+$0x1D730] =	vst v1;
	v1 =	vld [tilespmem:s19+$0x1B750]  }
0xf2: {  	v0 =	vld.idx.msk [tilespmem:v0+s2+$0x0], $0xffff;
	_ =	sdelay $0x5  }
0xf3: {  	[tilespmem:s19+$0x1D740] =	vst v0;
	v2 =	vld [tilespmem:s19+$0x1B760]  }
0xf4: {  	v0 =	vld.idx.msk [tilespmem:v1+s2+$0x0], $0xffff;
	_ =	sdelay $0x5  }
0xf5: {  	[tilespmem:s19+$0x1D750] =	vst v0;
	v0 =	vld [tilespmem:s19+$0x1B770]  }
0xf6: {  	v1 =	vld.idx.msk [tilespmem:v2+s2+$0x0], $0xffff  }
.Ltmp3:
0xf7: {  	(pc) =	sbr.rel @p0 .LBB2_9-.Ltmp3, $2  }
0xf8: {  	_ =	sdelay $0x2  }
0xf9: {  	s21 =	sshra.s32 s20, $0x2;
	s20 =	sadd.s32 $0x200, s20  }
0xfa: {  	_ =	sdelay $0x1  }
0xfb: {  	v2 =	vld [tilespmem:s21+$0x1B700]  }
0xfc: {  	[tilespmem:s19+$0x1D760] =	vst v1  }
0xfd: {  	v0 =	vld.idx.msk [tilespmem:v0+s2+$0x0], $0xffff;
	_ =	sdelay $0x3  }
0xfe: {  	v1 =	vld [tilespmem:s21+$0x1B710]  }
0xff: {  	[tilespmem:s19+$0x1D770] =	vst v0  }
0x100: {  	v0 =	vld.idx.msk [tilespmem:v2+s2+$0x0], $0xffff;
	_ =	sdelay $0x3  }
0x101: {  	v58 =	vld [tilespmem:s21+$0x1B720]  }
0x102: {  	[tilespmem:s21+$0x1D700] =	vst v0  }
0x103: {  	v1 =	vld.idx.msk [tilespmem:v1+s2+$0x0], $0xffff;
	_ =	sdelay $0x3  }
0x104: {  	v59 =	vld [tilespmem:s21+$0x1B730]  }
0x105: {  	[tilespmem:s21+$0x1D710] =	vst v1  }
0x106: {  	v0 =	vld.idx.msk [tilespmem:v58+s2+$0x0], $0xffff;
	_ =	sdelay $0x3  }
0x107: {  	v60 =	vld [tilespmem:s21+$0x1B740]  }
0x108: {  	[tilespmem:s21+$0x1D720] =	vst v0  }
0x109: {  	v1 =	vld.idx.msk [tilespmem:v59+s2+$0x0], $0xffff;
	_ =	sdelay $0x3  }
0x10a: {  	v61 =	vld [tilespmem:s21+$0x1B750]  }
0x10b: {  	[tilespmem:s21+$0x1D730] =	vst v1  }
0x10c: {  	v0 =	vld.idx.msk [tilespmem:v60+s2+$0x0], $0xffff;
	_ =	sdelay $0x3  }
0x10d: {  	v62 =	vld [tilespmem:s21+$0x1B760]  }
0x10e: {  	[tilespmem:s21+$0x1D740] =	vst v0  }
0x10f: {  	v1 =	vld.idx.msk [tilespmem:v61+s2+$0x0], $0xffff;
	_ =	sdelay $0x3  }
0x110: {  	v63 =	vld [tilespmem:s21+$0x1B770]  }
0x111: {  	[tilespmem:s21+$0x1D750] =	vst v1  }
0x112: {  	v0 =	vld.idx.msk [tilespmem:v62+s2+$0x0], $0xffff;
	_ =	sdelay $0x4  }
0x113: {  	[tilespmem:s21+$0x1D760] =	vst v0  }
0x114: {  	v0 =	vld.idx.msk [tilespmem:v63+s2+$0x0], $0xffff;
	_ =	sdelay $0x2  }
0x115: {  	s17 =	sadd.s32 $0x1, s17  }
0x116: {  	p0 =	sne.s32 s17, s7  }
.Ltmp4:
0x117: {  	s18 =	sadd.s32 s18, s10;
	[tilespmem:s21+$0x1D770] =	vst v0;
	(pc) =	sbr.rel @p0 .LBB2_2-.Ltmp4, $4  }
0x118: {  	[hbm4b:s18+s2] =	stream.linear.scatter [tilespmem:s14], [sflag:$0x1], $0x1000, $0x38;
	[tilespmem:$0x1E700] =	vst v63  }
0x119: {  	_ =	swait.ge [sflag:s12], $0x1000  }
0x11a: {  	[sflag:s12] =	ssyncset.done $0x0  }
0x11b: {  	[sflag:s12] =	ssyncadd.s32 $0xFFFFF000  }
0x11c: {  	s15 =	sadd.s32 $0x1, s15  }
0x11d: {  	p0 =	sne.s32 s15, s11  }
.Ltmp5:
0x11e: {  	_ = 	snop;
	(pc) =	sbr.rel @p0 .LBB2_1-.Ltmp5, $1  }
0x11f: {  	_ =	sdelay $0x3  }
0x120: {  	_ =	sfence.sel $0x180000  }
0x121: {  	[bflag:$0x0] =	sbarrier.arrive $0xFFFF  }
0x122: {  	p0 =	sne.s32 s1, $0x0;
	_ =	strace $0x90000047  }
0x123: {  	s0 =	sadd.s32 @!p0 $0x100000, s0;
	[bflag:$0x2] =	sbarrier.arrive $0xFFFF  }
0x124: {  	[sflag:s0] =	ssyncadd.tile.s32 @!p0 $0x1;
	_ =	shalt  }
.Lfunc_end2:
_tile_overlayer_lowered:
.L_overlay_start_2:
0x125: {  	(tag) =	ssettag $0x2  }
0x126: {  	s0 =	rddreg [dreg:$0x0];
	s2 =	stileid.u32  }
0x127: {  	s1 =	rddreg [dreg:$0x1];
	p0 =	sne.s32 s2, $0x0  }
0x128: {  	s3 =	rddreg [dreg:$0x2];
	[bflag:$0x3] =	sbarrier.arrive $0xFFFF;
	s2 =	simm.s32 @!p0 $0x1C01  }
0x129: {  	[timem:s3], [sflag:s2] =	dma.local @!p0 [hbm:s0], s1  }
0x12a: {  	s0 =	simm.s32 @!p0 $0x1  }
0x12b: {  	_ =	swait.ge @!p0 [sflag:s0], s1  }
0x12c: {  	s1 =	ssub.s32 @!p0 $0x0, s1;
	[sflag:s0] =	ssyncset.done @!p0 $0x0  }
0x12d: {  	[sflag:s0] =	ssyncadd.s32 @!p0 s1  }
0x12e: {  	[bflag:$0x3] =	sbarrier.arrive $0xFFFF  }
0x12f: {  	_ =	shalt  }

</sc_bundles>
